<compile_context>
chip_gen: v7x
topology: tpu7x:2x2x1
jax: 0.10.2.dev20260603
libtpu: 0.0.44.dev20260713+nightly
codegen_flags: <defaults>
</compile_context>

<pallas_src>
import functools

import jax
import jax.numpy as jnp
from jax import lax
from jax.experimental import pallas as pl
from jax.experimental.pallas import tpu as pltpu
from jax.experimental.pallas import tpu_sc as plsc

NC, NS = 2, 16
NW = NC * NS
EB = 128
VL = 16


def _cdiv(a, b):
    return (a + b - 1) // b


def _make_gather(n_rows_pad, d):
    b_per_w = n_rows_pad // NW
    mesh = plsc.VectorSubcoreMesh(core_axis_name="c", subcore_axis_name="s")

    @functools.partial(
        pl.kernel,
        out_type=jax.ShapeDtypeStruct((n_rows_pad, d), jnp.float32),
        mesh=mesh,
        scratch_types=[
            pltpu.VMEM((b_per_w,), jnp.int32),
            pltpu.VMEM((b_per_w, d), jnp.float32),
            pltpu.SemaphoreType.DMA,
        ],
    )
    def gather_kernel(table_hbm, idx_hbm, out_hbm, idx_v, rows_v, sem):
        wid = lax.axis_index("s") * NC + lax.axis_index("c")
        base = wid * b_per_w
        pltpu.sync_copy(idx_hbm.at[pl.ds(base, b_per_w)], idx_v)
        pltpu.async_copy(table_hbm.at[idx_v], rows_v, sem).wait()
        pltpu.sync_copy(rows_v, out_hbm.at[pl.ds(base, b_per_w)])

    return gather_kernel


def _make_edge_agg(n_acc, d, k_blocks):
    mesh = plsc.VectorSubcoreMesh(core_axis_name="c", subcore_axis_name="s")
    rows_z = n_acc // NS

    @functools.partial(
        pl.kernel,
        out_type=jax.ShapeDtypeStruct((NC, n_acc, d), jnp.float32),
        mesh=mesh,
        scratch_types=[
            pltpu.VMEM((EB,), jnp.int32),
            pltpu.VMEM((EB,), jnp.int32),
            pltpu.VMEM((EB, d), jnp.float32),
            pltpu.VMEM_SHARED((n_acc, d), jnp.float32),
            pltpu.SemaphoreType.DMA,
        ],
    )
    def edge_agg(g_hbm, src_hbm, dst_hbm, zg_hbm, pg_hbm,
                 src_blk, dst_blk, rows_v, acc, sem):
        cid = lax.axis_index("c")
        sid = lax.axis_index("s")
        wid = sid * NC + cid

        pltpu.sync_copy(zg_hbm.at[pl.ds(sid * rows_z, rows_z)],
                        acc.at[pl.ds(sid * rows_z, rows_z)])
        plsc.subcore_barrier()

        @pl.loop(0, k_blocks)
        def _(j):
            base = (wid * k_blocks + j) * EB
            pltpu.sync_copy(src_hbm.at[pl.ds(base, EB)], src_blk)
            pltpu.sync_copy(dst_hbm.at[pl.ds(base, EB)], dst_blk)
            pltpu.async_copy(g_hbm.at[src_blk], rows_v, sem).wait()
            pltpu.sync_copy(rows_v, acc.at[dst_blk], add=True)

        plsc.subcore_barrier()
        pltpu.sync_copy(acc.at[pl.ds(sid * rows_z, rows_z)],
                        pg_hbm.at[cid].at[pl.ds(sid * rows_z, rows_z)])

    return edge_agg


def _make_counts(n_acc, d, k_blocks):
    mesh = plsc.VectorSubcoreMesh(core_axis_name="c", subcore_axis_name="s")
    rows_z = n_acc // NS

    @functools.partial(
        pl.kernel,
        out_type=jax.ShapeDtypeStruct((NC, n_acc, d), jnp.float32),
        mesh=mesh,
        scratch_types=[
            pltpu.VMEM((EB,), jnp.int32),
            pltpu.VMEM((EB, d), jnp.float32),
            pltpu.VMEM_SHARED((n_acc, d), jnp.float32),
        ],
    )
    def counts_kernel(dst_hbm, zc_hbm, ones_hbm, out_hbm,
                      dst_blk, ones_v, acc):
        cid = lax.axis_index("c")
        sid = lax.axis_index("s")
        wid = sid * NC + cid

        pltpu.sync_copy(zc_hbm.at[pl.ds(sid * rows_z, rows_z)],
                        acc.at[pl.ds(sid * rows_z, rows_z)])
        pltpu.sync_copy(ones_hbm, ones_v)
        plsc.subcore_barrier()

        @pl.loop(0, k_blocks)
        def _(j):
            base = (wid * k_blocks + j) * EB
            pltpu.sync_copy(dst_hbm.at[pl.ds(base, EB)], dst_blk)
            pltpu.sync_copy(ones_v, acc.at[dst_blk], add=True)

        plsc.subcore_barrier()
        pltpu.sync_copy(acc.at[pl.ds(sid * rows_z, rows_z)],
                        out_hbm.at[cid].at[pl.ds(sid * rows_z, rows_z)])

    return counts_kernel


def _make_combine(n_rows, d, rb):
    grid = n_rows // rb

    def combine_body(pg_ref, pc_ref, h_ref, wl_ref, b_ref, wr_ref, out_ref):
        agg = pg_ref[0] + pg_ref[1]
        cnt = pc_ref[0, :, 0:1] + pc_ref[1, :, 0:1]
        inv = 1.0 / jnp.maximum(cnt, 1.0)
        mean = agg * inv
        out = (jnp.dot(mean, wl_ref[...], preferred_element_type=jnp.float32)
               + b_ref[...]
               + jnp.dot(h_ref[...], wr_ref[...],
                         preferred_element_type=jnp.float32))
        out_ref[...] = jnp.maximum(out, 0.0)

    return pl.pallas_call(
        combine_body,
        grid=(grid,),
        in_specs=[
            pl.BlockSpec((NC, rb, d), lambda i: (0, i, 0)),
            pl.BlockSpec((NC, rb, d), lambda i: (0, i, 0)),
            pl.BlockSpec((rb, d), lambda i: (i, 0)),
            pl.BlockSpec((d, d), lambda i: (0, 0)),
            pl.BlockSpec((1, d), lambda i: (0, 0)),
            pl.BlockSpec((d, d), lambda i: (0, 0)),
        ],
        out_specs=pl.BlockSpec((rb, d), lambda i: (i, 0)),
        out_shape=jax.ShapeDtypeStruct((n_rows, d), jnp.float32),
    )


def kernel(x, edge_index, table, W1l, b1l, W1r, W2l, b2l, W2r):
    n = x.shape[0]
    e = edge_index.shape[1]
    d = table.shape[1]

    rb = 512
    P = _cdiv(n + 1, 2560) * 2560
    xp = jnp.concatenate([x, jnp.zeros((P - n,), jnp.int32)])
    h0 = _make_gather(P, d)(table, xp)

    k_blocks = _cdiv(e, NW * EB)
    e_pad = NW * k_blocks * EB
    src = edge_index[0]
    dst = edge_index[1]
    if e_pad != e:
        src = jnp.concatenate([src, jnp.zeros((e_pad - e,), jnp.int32)])
        dst = jnp.concatenate([dst, jnp.full((e_pad - e,), n, jnp.int32)])

    zeros_g = jnp.zeros((P, d), jnp.float32)
    zeros_c = jnp.zeros((P, d), jnp.float32)

    edge_agg = _make_edge_agg(P, d, k_blocks)
    combine = _make_combine(P, d, rb)

    b1 = b1l.reshape(1, d)
    b2 = b2l.reshape(1, d)

    ones_e = jnp.ones((EB, d), jnp.float32)
    pc = _make_counts(P, d, k_blocks)(dst, zeros_c, ones_e)
    pg1 = edge_agg(h0, src, dst, zeros_g)
    h1 = combine(pg1, pc, h0, W1l, b1, W1r)
    pg2 = edge_agg(h1, src, dst, zeros_g)
    h2 = combine(pg2, pc, h1, W2l, b2, W2r)
    return h2[:n]

# --- scband reference (transcript-rebuilt; emitter-appended) ---
"""Pipeline reference for scband-large-gnnrecommender-89481348645687 (READ-ONLY COPY).

The authoritative reference and input builder live on the scoring server;
editing this copy changes nothing except your own understanding.
"""

import jax, jax.numpy as jnp
import numpy as np

NUM_NODES_TABLE = 100000
N_GRAPH_NODES = 10000
N_EDGES = 320000
EMBED_DIM = 128
HIDDEN_DIM = 128


def setup_inputs(seed: int = 0) -> dict:
    key = jax.random.key(seed)
    ks = jax.random.split(key, 10)
    x = jax.random.randint(ks[0], (N_GRAPH_NODES,), 0, NUM_NODES_TABLE, dtype=jnp.int64 if jax.config.jax_enable_x64 else jnp.int32).astype(jnp.int32)
    edge_index = jax.random.randint(ks[1], (2, N_EDGES), 0, N_GRAPH_NODES).astype(jnp.int32)
    table = jax.random.normal(ks[2], (NUM_NODES_TABLE, EMBED_DIM), dtype=jnp.float32) * 0.05
    # SAGEConv1: lin_l (aggregated neighbors, with bias), lin_r (self, no bias)
    W1l = jax.random.normal(ks[3], (EMBED_DIM, HIDDEN_DIM), dtype=jnp.float32) * (1.0 / np.sqrt(EMBED_DIM))
    b1l = jnp.zeros((HIDDEN_DIM,), dtype=jnp.float32)
    W1r = jax.random.normal(ks[4], (EMBED_DIM, HIDDEN_DIM), dtype=jnp.float32) * (1.0 / np.sqrt(EMBED_DIM))
    # SAGEConv2
    W2l = jax.random.normal(ks[5], (HIDDEN_DIM, HIDDEN_DIM), dtype=jnp.float32) * (1.0 / np.sqrt(HIDDEN_DIM))
    b2l = jnp.zeros((HIDDEN_DIM,), dtype=jnp.float32)
    W2r = jax.random.normal(ks[6], (HIDDEN_DIM, HIDDEN_DIM), dtype=jnp.float32) * (1.0 / np.sqrt(HIDDEN_DIM))
    return {"x": x, "edge_index": edge_index, "table": table,
            "W1l": W1l, "b1l": b1l, "W1r": W1r,
            "W2l": W2l, "b2l": b2l, "W2r": W2r}


def _sage_conv(h, edge_index, Wl, bl, Wr):
    src = edge_index[0]
    dst = edge_index[1]
    n = h.shape[0]
    msgs = jnp.take(h, src, axis=0)
    agg = jax.ops.segment_sum(msgs, dst, num_segments=n)
    cnt = jax.ops.segment_sum(jnp.ones((msgs.shape[0],), dtype=h.dtype), dst, num_segments=n)
    mean = agg / jnp.maximum(cnt, 1.0)[:, None]
    return mean @ Wl + bl + h @ Wr


def reference(x, edge_index, table, W1l, b1l, W1r, W2l, b2l, W2r):
    h = jnp.take(table, x, axis=0)  # embedding lookup
    h = jax.nn.relu(_sage_conv(h, edge_index, W1l, b1l, W1r))
    h = jax.nn.relu(_sage_conv(h, edge_index, W2l, b2l, W2r))
    return h

if __name__ == "__main__":
    import jax
    _d = setup_inputs()
    print(jax.jit(kernel)(*tuple(_d.values())))

</pallas_src>

<mosaic_0001>
#map = affine_map<(d0, d1) -> (0)>
#map1 = affine_map<(d0, d1) -> (0, 0)>
#map2 = affine_map<(d0, d1) -> (0, 0, 0)>
module attributes {stable_mosaic.version = 14 : i64} {
  func.func @counts_kernel(%arg0: i32, %arg1: i32, %arg2: memref<323584xi32, #tpu.memory_space<hbm>>, %arg3: memref<10240x128xf32, #tpu.memory_space<hbm>>, %arg4: memref<128x128xf32, #tpu.memory_space<hbm>>, %arg5: memref<2x10240x128xf32, #tpu.memory_space<hbm>>, %arg6: memref<128xi32, #tpu.memory_space<vmem>>, %arg7: memref<128x128xf32, #tpu.memory_space<vmem>>, %arg8: memref<10240x128xf32, #tpu.memory_space<vmem_shared>>) attributes {dimension_semantics = [#tpu.dimension_semantics<core_parallel>, #tpu.dimension_semantics<subcore_parallel>], iteration_bounds = array<i64: 2, 16>, scalar_prefetch = 0 : i64, scratch_operands = 3 : i64, tpu.core_type = #tpu.core_type<sc_vector_subcore>, window_params = [{transform_indices = #map}, {transform_indices = #map1}, {transform_indices = #map1}, {transform_indices = #map2}]} {
    %mul3A = arith.constant 2 : i32
    %mul3A_0 = arith.muli %arg1, %mul3A : i32
    %add3A = arith.addi %mul3A_0, %arg0 : i32
    %mul3A_1 = arith.constant 640 : i32
    %mul3A_2 = arith.muli %arg1, %mul3A_1 : i32
    %mul3A_3 = arith.constant 640 : i32
    %mul3A_4 = arith.muli %arg1, %mul3A_3 : i32
    "tpu.region"() ({
      %run_scoped3A = tpu.sem_alloc : memref<!tpu.dma_semaphore, #tpu.memory_space<semaphore_mem>>
      %dma_start3A = arith.constant 0 : i32
      %dma_start3A_14 = tpu.memref_slice %arg8[%mul3A_4, %dma_start3A] : memref<10240x128xf32, #tpu.memory_space<vmem_shared>> -> memref<640x128xf32, #tpu.memory_space<vmem_shared>>
      %dma_start3A_15 = arith.constant 0 : i32
      %dma_start3A_16 = tpu.memref_slice %arg3[%mul3A_2, %dma_start3A_15] : memref<10240x128xf32, #tpu.memory_space<hbm>> -> memref<640x128xf32, #tpu.memory_space<hbm>>
      tpu.enqueue_dma source(%dma_start3A_16 : memref<640x128xf32, #tpu.memory_space<hbm>>) target(%dma_start3A_14 : memref<640x128xf32, #tpu.memory_space<vmem_shared>>) target_semaphore(%run_scoped3A : memref<!tpu.dma_semaphore, #tpu.memory_space<semaphore_mem>>)
      %dma_wait3A = arith.constant 0 : i32
      %dma_wait3A_17 = tpu.memref_slice %arg8[%mul3A_4, %dma_wait3A] : memref<10240x128xf32, #tpu.memory_space<vmem_shared>> -> memref<640x128xf32, #tpu.memory_space<vmem_shared>>
      %dma_wait3A_18 = arith.constant 0 : i32
      %dma_wait3A_19 = tpu.memref_slice %arg3[%mul3A_2, %dma_wait3A_18] : memref<10240x128xf32, #tpu.memory_space<hbm>> -> memref<640x128xf32, #tpu.memory_space<hbm>>
      tpu.wait_dma2 semaphore(%run_scoped3A : memref<!tpu.dma_semaphore, #tpu.memory_space<semaphore_mem>>) src(%dma_wait3A_19 : memref<640x128xf32, #tpu.memory_space<hbm>>) dst(%dma_wait3A_17 : memref<640x128xf32, #tpu.memory_space<vmem_shared>>)
      tpu.yield
    }) : () -> ()
    "tpu.region"() ({
      %run_scoped3A = tpu.sem_alloc : memref<!tpu.dma_semaphore, #tpu.memory_space<semaphore_mem>>
      tpu.enqueue_dma source(%arg4 : memref<128x128xf32, #tpu.memory_space<hbm>>) target(%arg7 : memref<128x128xf32, #tpu.memory_space<vmem>>) target_semaphore(%run_scoped3A : memref<!tpu.dma_semaphore, #tpu.memory_space<semaphore_mem>>)
      tpu.wait_dma2 semaphore(%run_scoped3A : memref<!tpu.dma_semaphore, #tpu.memory_space<semaphore_mem>>) src(%arg4 : memref<128x128xf32, #tpu.memory_space<hbm>>) dst(%arg7 : memref<128x128xf32, #tpu.memory_space<vmem>>)
      tpu.yield
    }) : () -> ()
    %barrier3A = arith.constant 0 : index
    tpu.barrier barrier_id(%barrier3A)
    %scan3A = arith.constant 0 : i32
    %scan3A_5 = arith.constant 79 : i32
    %scan3A_6 = arith.addi %scan3A, %scan3A_5 : i32
    %scan3A_7 = arith.constant 1 : i32
    scf.for %scan3A_14 = %scan3A to %scan3A_6 step %scan3A_7  : i32 {
      %mul3A_15 = arith.constant 1 : i32
      %mul3A_16 = arith.muli %scan3A_14, %mul3A_15 : i32
      %add3A_17 = arith.constant 0 : i32
      %add3A_18 = arith.addi %add3A_17, %mul3A_16 : i32
      %mul3A_19 = arith.constant 79 : i32
      %mul3A_20 = arith.muli %add3A, %mul3A_19 : i32
      %add3A_21 = arith.addi %mul3A_20, %add3A_18 : i32
      %mul3A_22 = arith.constant 128 : i32
      %mul3A_23 = arith.muli %add3A_21, %mul3A_22 : i32
      "tpu.region"() ({
        %run_scoped3A = tpu.sem_alloc : memref<!tpu.dma_semaphore, #tpu.memory_space<semaphore_mem>>
        %dma_start3A = tpu.memref_slice %arg2[%mul3A_23] : memref<323584xi32, #tpu.memory_space<hbm>> -> memref<128xi32, #tpu.memory_space<hbm>>
        %dma_start3A_24 = tpu.memref_slice %arg2[%mul3A_23] : memref<323584xi32, #tpu.memory_space<hbm>> -> memref<128xi32, #tpu.memory_space<hbm>>
        tpu.enqueue_dma source(%dma_start3A_24 : memref<128xi32, #tpu.memory_space<hbm>>) target(%arg6 : memref<128xi32, #tpu.memory_space<vmem>>) target_semaphore(%run_scoped3A : memref<!tpu.dma_semaphore, #tpu.memory_space<semaphore_mem>>)
        %dma_wait3A = tpu.memref_slice %arg2[%mul3A_23] : memref<323584xi32, #tpu.memory_space<hbm>> -> memref<128xi32, #tpu.memory_space<hbm>>
        %dma_wait3A_25 = tpu.memref_slice %arg2[%mul3A_23] : memref<323584xi32, #tpu.memory_space<hbm>> -> memref<128xi32, #tpu.memory_space<hbm>>
        tpu.wait_dma2 semaphore(%run_scoped3A : memref<!tpu.dma_semaphore, #tpu.memory_space<semaphore_mem>>) src(%dma_wait3A_25 : memref<128xi32, #tpu.memory_space<hbm>>) dst(%arg6 : memref<128xi32, #tpu.memory_space<vmem>>)
        tpu.yield
      }) : () -> ()
      "tpu.region"() ({
        %run_scoped3A = tpu.sem_alloc : memref<!tpu.dma_semaphore, #tpu.memory_space<semaphore_mem>>
        %dma_start3A = arith.constant 0 : i32
        %dma_start3A_24 = arith.constant 0 : i32
        %dma_start3A_25 = tpu.memref_slice %arg8[%dma_start3A, %dma_start3A_24] : memref<10240x128xf32, #tpu.memory_space<vmem_shared>> -> memref<10240x128xf32, #tpu.memory_space<vmem_shared>>
        tpu.enqueue_indirect_dma source(%arg7 : memref<128x128xf32, #tpu.memory_space<vmem>>) target(%dma_start3A_25 : memref<10240x128xf32, #tpu.memory_space<vmem_shared>>) offsets(%arg6 : memref<128xi32, #tpu.memory_space<vmem>>) semaphore(%run_scoped3A : memref<!tpu.dma_semaphore, #tpu.memory_space<semaphore_mem>>) {add = true}
        %dma_wait3A = arith.constant 0 : i32
        %dma_wait3A_26 = arith.constant 0 : i32
        %dma_wait3A_27 = tpu.memref_slice %arg8[%dma_wait3A, %dma_wait3A_26] : memref<10240x128xf32, #tpu.memory_space<vmem_shared>> -> memref<10240x128xf32, #tpu.memory_space<vmem_shared>>
        tpu.wait_indirect_dma semaphore(%run_scoped3A : memref<!tpu.dma_semaphore, #tpu.memory_space<semaphore_mem>>) src(%arg7 : memref<128x128xf32, #tpu.memory_space<vmem>>) dst(%dma_wait3A_27 : memref<10240x128xf32, #tpu.memory_space<vmem_shared>>)
        tpu.yield
      }) : () -> ()
    }
    %scan3A_8 = arith.constant 79 : i32
    %barrier3A_9 = arith.constant 0 : index
    tpu.barrier barrier_id(%barrier3A_9)
    %mul3A_10 = arith.constant 640 : i32
    %mul3A_11 = arith.muli %arg1, %mul3A_10 : i32
    %mul3A_12 = arith.constant 640 : i32
    %mul3A_13 = arith.muli %arg1, %mul3A_12 : i32
    "tpu.region"() ({
      %run_scoped3A = tpu.sem_alloc : memref<!tpu.dma_semaphore, #tpu.memory_space<semaphore_mem>>
      %dma_start3A = arith.constant 0 : i32
      %dma_start3A_14 = arith.constant 0 : i32
      %dma_start3A_15 = tpu.memref_slice %arg5[%arg0, %dma_start3A, %dma_start3A_14] : memref<2x10240x128xf32, #tpu.memory_space<hbm>> -> memref<1x10240x128xf32, #tpu.memory_space<hbm>>
      %dma_start3A_16 = tpu.memref_squeeze %dma_start3A_15 : memref<1x10240x128xf32, #tpu.memory_space<hbm>> -> memref<10240x128xf32, #tpu.memory_space<hbm>>
      %dma_start3A_17 = arith.constant 0 : i32
      %dma_start3A_18 = tpu.memref_slice %dma_start3A_16[%mul3A_13, %dma_start3A_17] : memref<10240x128xf32, #tpu.memory_space<hbm>> -> memref<640x128xf32, #tpu.memory_space<hbm>>
      %dma_start3A_19 = arith.constant 0 : i32
      %dma_start3A_20 = tpu.memref_slice %arg8[%mul3A_11, %dma_start3A_19] : memref<10240x128xf32, #tpu.memory_space<vmem_shared>> -> memref<640x128xf32, #tpu.memory_space<vmem_shared>>
      tpu.enqueue_dma source(%dma_start3A_20 : memref<640x128xf32, #tpu.memory_space<vmem_shared>>) target(%dma_start3A_18 : memref<640x128xf32, #tpu.memory_space<hbm>>) target_semaphore(%run_scoped3A : memref<!tpu.dma_semaphore, #tpu.memory_space<semaphore_mem>>)
      %dma_wait3A = arith.constant 0 : i32
      %dma_wait3A_21 = arith.constant 0 : i32
      %dma_wait3A_22 = tpu.memref_slice %arg5[%arg0, %dma_wait3A, %dma_wait3A_21] : memref<2x10240x128xf32, #tpu.memory_space<hbm>> -> memref<1x10240x128xf32, #tpu.memory_space<hbm>>
      %dma_wait3A_23 = tpu.memref_squeeze %dma_wait3A_22 : memref<1x10240x128xf32, #tpu.memory_space<hbm>> -> memref<10240x128xf32, #tpu.memory_space<hbm>>
      %dma_wait3A_24 = arith.constant 0 : i32
      %dma_wait3A_25 = tpu.memref_slice %dma_wait3A_23[%mul3A_13, %dma_wait3A_24] : memref<10240x128xf32, #tpu.memory_space<hbm>> -> memref<640x128xf32, #tpu.memory_space<hbm>>
      %dma_wait3A_26 = arith.constant 0 : i32
      %dma_wait3A_27 = tpu.memref_slice %arg8[%mul3A_11, %dma_wait3A_26] : memref<10240x128xf32, #tpu.memory_space<vmem_shared>> -> memref<640x128xf32, #tpu.memory_space<vmem_shared>>
      tpu.wait_dma2 semaphore(%run_scoped3A : memref<!tpu.dma_semaphore, #tpu.memory_space<semaphore_mem>>) src(%dma_wait3A_27 : memref<640x128xf32, #tpu.memory_space<vmem_shared>>) dst(%dma_wait3A_25 : memref<640x128xf32, #tpu.memory_space<hbm>>)
      tpu.yield
    }) : () -> ()
    return
  }
}

#map = affine_map<(d0, d1) -> (0, 0)>
#map1 = affine_map<(d0, d1) -> (0)>
#map2 = affine_map<(d0, d1) -> (0, 0, 0)>
module attributes {stable_mosaic.version = 14 : i64} {
  func.func @edge_agg(%arg0: i32, %arg1: i32, %arg2: memref<10240x128xf32, #tpu.memory_space<hbm>>, %arg3: memref<323584xi32, #tpu.memory_space<hbm>>, %arg4: memref<323584xi32, #tpu.memory_space<hbm>>, %arg5: memref<10240x128xf32, #tpu.memory_space<hbm>>, %arg6: memref<2x10240x128xf32, #tpu.memory_space<hbm>>, %arg7: memref<128xi32, #tpu.memory_space<vmem>>, %arg8: memref<128xi32, #tpu.memory_space<vmem>>, %arg9: memref<128x128xf32, #tpu.memory_space<vmem>>, %arg10: memref<10240x128xf32, #tpu.memory_space<vmem_shared>>, %arg11: memref<!tpu.dma_semaphore, #tpu.memory_space<semaphore_mem>>) attributes {dimension_semantics = [#tpu.dimension_semantics<core_parallel>, #tpu.dimension_semantics<subcore_parallel>], iteration_bounds = array<i64: 2, 16>, scalar_prefetch = 0 : i64, scratch_operands = 5 : i64, tpu.core_type = #tpu.core_type<sc_vector_subcore>, window_params = [{transform_indices = #map}, {transform_indices = #map1}, {transform_indices = #map1}, {transform_indices = #map}, {transform_indices = #map2}]} {
    %mul3A = arith.constant 2 : i32
    %mul3A_0 = arith.muli %arg1, %mul3A : i32
    %add3A = arith.addi %mul3A_0, %arg0 : i32
    %mul3A_1 = arith.constant 640 : i32
    %mul3A_2 = arith.muli %arg1, %mul3A_1 : i32
    %mul3A_3 = arith.constant 640 : i32
    %mul3A_4 = arith.muli %arg1, %mul3A_3 : i32
    "tpu.region"() ({
      %run_scoped3A = tpu.sem_alloc : memref<!tpu.dma_semaphore, #tpu.memory_space<semaphore_mem>>
      %dma_start3A = arith.constant 0 : i32
      %dma_start3A_14 = tpu.memref_slice %arg10[%mul3A_4, %dma_start3A] : memref<10240x128xf32, #tpu.memory_space<vmem_shared>> -> memref<640x128xf32, #tpu.memory_space<vmem_shared>>
      %dma_start3A_15 = arith.constant 0 : i32
      %dma_start3A_16 = tpu.memref_slice %arg5[%mul3A_2, %dma_start3A_15] : memref<10240x128xf32, #tpu.memory_space<hbm>> -> memref<640x128xf32, #tpu.memory_space<hbm>>
      tpu.enqueue_dma source(%dma_start3A_16 : memref<640x128xf32, #tpu.memory_space<hbm>>) target(%dma_start3A_14 : memref<640x128xf32, #tpu.memory_space<vmem_shared>>) target_semaphore(%run_scoped3A : memref<!tpu.dma_semaphore, #tpu.memory_space<semaphore_mem>>)
      %dma_wait3A = arith.constant 0 : i32
      %dma_wait3A_17 = tpu.memref_slice %arg10[%mul3A_4, %dma_wait3A] : memref<10240x128xf32, #tpu.memory_space<vmem_shared>> -> memref<640x128xf32, #tpu.memory_space<vmem_shared>>
      %dma_wait3A_18 = arith.constant 0 : i32
      %dma_wait3A_19 = tpu.memref_slice %arg5[%mul3A_2, %dma_wait3A_18] : memref<10240x128xf32, #tpu.memory_space<hbm>> -> memref<640x128xf32, #tpu.memory_space<hbm>>
      tpu.wait_dma2 semaphore(%run_scoped3A : memref<!tpu.dma_semaphore, #tpu.memory_space<semaphore_mem>>) src(%dma_wait3A_19 : memref<640x128xf32, #tpu.memory_space<hbm>>) dst(%dma_wait3A_17 : memref<640x128xf32, #tpu.memory_space<vmem_shared>>)
      tpu.yield
    }) : () -> ()
    %barrier3A = arith.constant 0 : index
    tpu.barrier barrier_id(%barrier3A)
    %scan3A = arith.constant 0 : i32
    %scan3A_5 = arith.constant 79 : i32
    %scan3A_6 = arith.addi %scan3A, %scan3A_5 : i32
    %scan3A_7 = arith.constant 1 : i32
    scf.for %scan3A_14 = %scan3A to %scan3A_6 step %scan3A_7  : i32 {
      %mul3A_15 = arith.constant 1 : i32
      %mul3A_16 = arith.muli %scan3A_14, %mul3A_15 : i32
      %add3A_17 = arith.constant 0 : i32
      %add3A_18 = arith.addi %add3A_17, %mul3A_16 : i32
      %mul3A_19 = arith.constant 79 : i32
      %mul3A_20 = arith.muli %add3A, %mul3A_19 : i32
      %add3A_21 = arith.addi %mul3A_20, %add3A_18 : i32
      %mul3A_22 = arith.constant 128 : i32
      %mul3A_23 = arith.muli %add3A_21, %mul3A_22 : i32
      "tpu.region"() ({
        %run_scoped3A = tpu.sem_alloc : memref<!tpu.dma_semaphore, #tpu.memory_space<semaphore_mem>>
        %dma_start3A_28 = tpu.memref_slice %arg3[%mul3A_23] : memref<323584xi32, #tpu.memory_space<hbm>> -> memref<128xi32, #tpu.memory_space<hbm>>
        %dma_start3A_29 = tpu.memref_slice %arg3[%mul3A_23] : memref<323584xi32, #tpu.memory_space<hbm>> -> memref<128xi32, #tpu.memory_space<hbm>>
        tpu.enqueue_dma source(%dma_start3A_29 : memref<128xi32, #tpu.memory_space<hbm>>) target(%arg7 : memref<128xi32, #tpu.memory_space<vmem>>) target_semaphore(%run_scoped3A : memref<!tpu.dma_semaphore, #tpu.memory_space<semaphore_mem>>)
        %dma_wait3A_30 = tpu.memref_slice %arg3[%mul3A_23] : memref<323584xi32, #tpu.memory_space<hbm>> -> memref<128xi32, #tpu.memory_space<hbm>>
        %dma_wait3A_31 = tpu.memref_slice %arg3[%mul3A_23] : memref<323584xi32, #tpu.memory_space<hbm>> -> memref<128xi32, #tpu.memory_space<hbm>>
        tpu.wait_dma2 semaphore(%run_scoped3A : memref<!tpu.dma_semaphore, #tpu.memory_space<semaphore_mem>>) src(%dma_wait3A_31 : memref<128xi32, #tpu.memory_space<hbm>>) dst(%arg7 : memref<128xi32, #tpu.memory_space<vmem>>)
        tpu.yield
      }) : () -> ()
      "tpu.region"() ({
        %run_scoped3A = tpu.sem_alloc : memref<!tpu.dma_semaphore, #tpu.memory_space<semaphore_mem>>
        %dma_start3A_28 = tpu.memref_slice %arg4[%mul3A_23] : memref<323584xi32, #tpu.memory_space<hbm>> -> memref<128xi32, #tpu.memory_space<hbm>>
        %dma_start3A_29 = tpu.memref_slice %arg4[%mul3A_23] : memref<323584xi32, #tpu.memory_space<hbm>> -> memref<128xi32, #tpu.memory_space<hbm>>
        tpu.enqueue_dma source(%dma_start3A_29 : memref<128xi32, #tpu.memory_space<hbm>>) target(%arg8 : memref<128xi32, #tpu.memory_space<vmem>>) target_semaphore(%run_scoped3A : memref<!tpu.dma_semaphore, #tpu.memory_space<semaphore_mem>>)
        %dma_wait3A_30 = tpu.memref_slice %arg4[%mul3A_23] : memref<323584xi32, #tpu.memory_space<hbm>> -> memref<128xi32, #tpu.memory_space<hbm>>
        %dma_wait3A_31 = tpu.memref_slice %arg4[%mul3A_23] : memref<323584xi32, #tpu.memory_space<hbm>> -> memref<128xi32, #tpu.memory_space<hbm>>
        tpu.wait_dma2 semaphore(%run_scoped3A : memref<!tpu.dma_semaphore, #tpu.memory_space<semaphore_mem>>) src(%dma_wait3A_31 : memref<128xi32, #tpu.memory_space<hbm>>) dst(%arg8 : memref<128xi32, #tpu.memory_space<vmem>>)
        tpu.yield
      }) : () -> ()
      %dma_start3A = arith.constant 0 : i32
      %dma_start3A_24 = arith.constant 0 : i32
      %dma_start3A_25 = tpu.memref_slice %arg2[%dma_start3A, %dma_start3A_24] : memref<10240x128xf32, #tpu.memory_space<hbm>> -> memref<10240x128xf32, #tpu.memory_space<hbm>>
      tpu.enqueue_indirect_dma source(%dma_start3A_25 : memref<10240x128xf32, #tpu.memory_space<hbm>>) target(%arg9 : memref<128x128xf32, #tpu.memory_space<vmem>>) offsets(%arg7 : memref<128xi32, #tpu.memory_space<vmem>>) semaphore(%arg11 : memref<!tpu.dma_semaphore, #tpu.memory_space<semaphore_mem>>)
      %dma_wait3A = arith.constant 0 : i32
      %dma_wait3A_26 = arith.constant 0 : i32
      %dma_wait3A_27 = tpu.memref_slice %arg2[%dma_wait3A, %dma_wait3A_26] : memref<10240x128xf32, #tpu.memory_space<hbm>> -> memref<10240x128xf32, #tpu.memory_space<hbm>>
      tpu.wait_indirect_dma semaphore(%arg11 : memref<!tpu.dma_semaphore, #tpu.memory_space<semaphore_mem>>) src(%dma_wait3A_27 : memref<10240x128xf32, #tpu.memory_space<hbm>>) dst(%arg9 : memref<128x128xf32, #tpu.memory_space<vmem>>)
      "tpu.region"() ({
        %run_scoped3A = tpu.sem_alloc : memref<!tpu.dma_semaphore, #tpu.memory_space<semaphore_mem>>
        %dma_start3A_28 = arith.constant 0 : i32
        %dma_start3A_29 = arith.constant 0 : i32
        %dma_start3A_30 = tpu.memref_slice %arg10[%dma_start3A_28, %dma_start3A_29] : memref<10240x128xf32, #tpu.memory_space<vmem_shared>> -> memref<10240x128xf32, #tpu.memory_space<vmem_shared>>
        tpu.enqueue_indirect_dma source(%arg9 : memref<128x128xf32, #tpu.memory_space<vmem>>) target(%dma_start3A_30 : memref<10240x128xf32, #tpu.memory_space<vmem_shared>>) offsets(%arg8 : memref<128xi32, #tpu.memory_space<vmem>>) semaphore(%run_scoped3A : memref<!tpu.dma_semaphore, #tpu.memory_space<semaphore_mem>>) {add = true}
        %dma_wait3A_31 = arith.constant 0 : i32
        %dma_wait3A_32 = arith.constant 0 : i32
        %dma_wait3A_33 = tpu.memref_slice %arg10[%dma_wait3A_31, %dma_wait3A_32] : memref<10240x128xf32, #tpu.memory_space<vmem_shared>> -> memref<10240x128xf32, #tpu.memory_space<vmem_shared>>
        tpu.wait_indirect_dma semaphore(%run_scoped3A : memref<!tpu.dma_semaphore, #tpu.memory_space<semaphore_mem>>) src(%arg9 : memref<128x128xf32, #tpu.memory_space<vmem>>) dst(%dma_wait3A_33 : memref<10240x128xf32, #tpu.memory_space<vmem_shared>>)
        tpu.yield
      }) : () -> ()
    }
    %scan3A_8 = arith.constant 79 : i32
    %barrier3A_9 = arith.constant 0 : index
    tpu.barrier barrier_id(%barrier3A_9)
    %mul3A_10 = arith.constant 640 : i32
    %mul3A_11 = arith.muli %arg1, %mul3A_10 : i32
    %mul3A_12 = arith.constant 640 : i32
    %mul3A_13 = arith.muli %arg1, %mul3A_12 : i32
    "tpu.region"() ({
      %run_scoped3A = tpu.sem_alloc : memref<!tpu.dma_semaphore, #tpu.memory_space<semaphore_mem>>
      %dma_start3A = arith.constant 0 : i32
      %dma_start3A_14 = arith.constant 0 : i32
      %dma_start3A_15 = tpu.memref_slice %arg6[%arg0, %dma_start3A, %dma_start3A_14] : memref<2x10240x128xf32, #tpu.memory_space<hbm>> -> memref<1x10240x128xf32, #tpu.memory_space<hbm>>
      %dma_start3A_16 = tpu.memref_squeeze %dma_start3A_15 : memref<1x10240x128xf32, #tpu.memory_space<hbm>> -> memref<10240x128xf32, #tpu.memory_space<hbm>>
      %dma_start3A_17 = arith.constant 0 : i32
      %dma_start3A_18 = tpu.memref_slice %dma_start3A_16[%mul3A_13, %dma_start3A_17] : memref<10240x128xf32, #tpu.memory_space<hbm>> -> memref<640x128xf32, #tpu.memory_space<hbm>>
      %dma_start3A_19 = arith.constant 0 : i32
      %dma_start3A_20 = tpu.memref_slice %arg10[%mul3A_11, %dma_start3A_19] : memref<10240x128xf32, #tpu.memory_space<vmem_shared>> -> memref<640x128xf32, #tpu.memory_space<vmem_shared>>
      tpu.enqueue_dma source(%dma_start3A_20 : memref<640x128xf32, #tpu.memory_space<vmem_shared>>) target(%dma_start3A_18 : memref<640x128xf32, #tpu.memory_space<hbm>>) target_semaphore(%run_scoped3A : memref<!tpu.dma_semaphore, #tpu.memory_space<semaphore_mem>>)
      %dma_wait3A = arith.constant 0 : i32
      %dma_wait3A_21 = arith.constant 0 : i32
      %dma_wait3A_22 = tpu.memref_slice %arg6[%arg0, %dma_wait3A, %dma_wait3A_21] : memref<2x10240x128xf32, #tpu.memory_space<hbm>> -> memref<1x10240x128xf32, #tpu.memory_space<hbm>>
      %dma_wait3A_23 = tpu.memref_squeeze %dma_wait3A_22 : memref<1x10240x128xf32, #tpu.memory_space<hbm>> -> memref<10240x128xf32, #tpu.memory_space<hbm>>
      %dma_wait3A_24 = arith.constant 0 : i32
      %dma_wait3A_25 = tpu.memref_slice %dma_wait3A_23[%mul3A_13, %dma_wait3A_24] : memref<10240x128xf32, #tpu.memory_space<hbm>> -> memref<640x128xf32, #tpu.memory_space<hbm>>
      %dma_wait3A_26 = arith.constant 0 : i32
      %dma_wait3A_27 = tpu.memref_slice %arg10[%mul3A_11, %dma_wait3A_26] : memref<10240x128xf32, #tpu.memory_space<vmem_shared>> -> memref<640x128xf32, #tpu.memory_space<vmem_shared>>
      tpu.wait_dma2 semaphore(%run_scoped3A : memref<!tpu.dma_semaphore, #tpu.memory_space<semaphore_mem>>) src(%dma_wait3A_27 : memref<640x128xf32, #tpu.memory_space<vmem_shared>>) dst(%dma_wait3A_25 : memref<640x128xf32, #tpu.memory_space<hbm>>)
      tpu.yield
    }) : () -> ()
    return
  }
}

#map = affine_map<(d0, d1) -> (0, 0)>
#map1 = affine_map<(d0, d1) -> (0)>
module attributes {stable_mosaic.version = 14 : i64} {
  func.func @gather_kernel(%arg0: i32, %arg1: i32, %arg2: memref<100000x128xf32, #tpu.memory_space<hbm>>, %arg3: memref<10240xi32, #tpu.memory_space<hbm>>, %arg4: memref<10240x128xf32, #tpu.memory_space<hbm>>, %arg5: memref<320xi32, #tpu.memory_space<vmem>>, %arg6: memref<320x128xf32, #tpu.memory_space<vmem>>, %arg7: memref<!tpu.dma_semaphore, #tpu.memory_space<semaphore_mem>>) attributes {dimension_semantics = [#tpu.dimension_semantics<core_parallel>, #tpu.dimension_semantics<subcore_parallel>], iteration_bounds = array<i64: 2, 16>, scalar_prefetch = 0 : i64, scratch_operands = 3 : i64, tpu.core_type = #tpu.core_type<sc_vector_subcore>, window_params = [{transform_indices = #map}, {transform_indices = #map1}, {transform_indices = #map}]} {
    %mul3A = arith.constant 2 : i32
    %mul3A_0 = arith.muli %arg1, %mul3A : i32
    %add3A = arith.addi %mul3A_0, %arg0 : i32
    %mul3A_1 = arith.constant 320 : i32
    %mul3A_2 = arith.muli %add3A, %mul3A_1 : i32
    "tpu.region"() ({
      %run_scoped3A = tpu.sem_alloc : memref<!tpu.dma_semaphore, #tpu.memory_space<semaphore_mem>>
      %dma_start3A_7 = tpu.memref_slice %arg3[%mul3A_2] : memref<10240xi32, #tpu.memory_space<hbm>> -> memref<320xi32, #tpu.memory_space<hbm>>
      %dma_start3A_8 = tpu.memref_slice %arg3[%mul3A_2] : memref<10240xi32, #tpu.memory_space<hbm>> -> memref<320xi32, #tpu.memory_space<hbm>>
      tpu.enqueue_dma source(%dma_start3A_8 : memref<320xi32, #tpu.memory_space<hbm>>) target(%arg5 : memref<320xi32, #tpu.memory_space<vmem>>) target_semaphore(%run_scoped3A : memref<!tpu.dma_semaphore, #tpu.memory_space<semaphore_mem>>)
      %dma_wait3A_9 = tpu.memref_slice %arg3[%mul3A_2] : memref<10240xi32, #tpu.memory_space<hbm>> -> memref<320xi32, #tpu.memory_space<hbm>>
      %dma_wait3A_10 = tpu.memref_slice %arg3[%mul3A_2] : memref<10240xi32, #tpu.memory_space<hbm>> -> memref<320xi32, #tpu.memory_space<hbm>>
      tpu.wait_dma2 semaphore(%run_scoped3A : memref<!tpu.dma_semaphore, #tpu.memory_space<semaphore_mem>>) src(%dma_wait3A_10 : memref<320xi32, #tpu.memory_space<hbm>>) dst(%arg5 : memref<320xi32, #tpu.memory_space<vmem>>)
      tpu.yield
    }) : () -> ()
    %dma_start3A = arith.constant 0 : i32
    %dma_start3A_3 = arith.constant 0 : i32
    %dma_start3A_4 = tpu.memref_slice %arg2[%dma_start3A, %dma_start3A_3] : memref<100000x128xf32, #tpu.memory_space<hbm>> -> memref<100000x128xf32, #tpu.memory_space<hbm>>
    tpu.enqueue_indirect_dma source(%dma_start3A_4 : memref<100000x128xf32, #tpu.memory_space<hbm>>) target(%arg6 : memref<320x128xf32, #tpu.memory_space<vmem>>) offsets(%arg5 : memref<320xi32, #tpu.memory_space<vmem>>) semaphore(%arg7 : memref<!tpu.dma_semaphore, #tpu.memory_space<semaphore_mem>>)
    %dma_wait3A = arith.constant 0 : i32
    %dma_wait3A_5 = arith.constant 0 : i32
    %dma_wait3A_6 = tpu.memref_slice %arg2[%dma_wait3A, %dma_wait3A_5] : memref<100000x128xf32, #tpu.memory_space<hbm>> -> memref<100000x128xf32, #tpu.memory_space<hbm>>
    tpu.wait_indirect_dma semaphore(%arg7 : memref<!tpu.dma_semaphore, #tpu.memory_space<semaphore_mem>>) src(%dma_wait3A_6 : memref<100000x128xf32, #tpu.memory_space<hbm>>) dst(%arg6 : memref<320x128xf32, #tpu.memory_space<vmem>>)
    "tpu.region"() ({
      %run_scoped3A = tpu.sem_alloc : memref<!tpu.dma_semaphore, #tpu.memory_space<semaphore_mem>>
      %dma_start3A_7 = arith.constant 0 : i32
      %dma_start3A_8 = tpu.memref_slice %arg4[%mul3A_2, %dma_start3A_7] : memref<10240x128xf32, #tpu.memory_space<hbm>> -> memref<320x128xf32, #tpu.memory_space<hbm>>
      %dma_start3A_9 = arith.constant 0 : i32
      %dma_start3A_10 = tpu.memref_slice %arg4[%mul3A_2, %dma_start3A_9] : memref<10240x128xf32, #tpu.memory_space<hbm>> -> memref<320x128xf32, #tpu.memory_space<hbm>>
      tpu.enqueue_dma source(%arg6 : memref<320x128xf32, #tpu.memory_space<vmem>>) target(%dma_start3A_10 : memref<320x128xf32, #tpu.memory_space<hbm>>) target_semaphore(%run_scoped3A : memref<!tpu.dma_semaphore, #tpu.memory_space<semaphore_mem>>)
      %dma_wait3A_11 = arith.constant 0 : i32
      %dma_wait3A_12 = tpu.memref_slice %arg4[%mul3A_2, %dma_wait3A_11] : memref<10240x128xf32, #tpu.memory_space<hbm>> -> memref<320x128xf32, #tpu.memory_space<hbm>>
      %dma_wait3A_13 = arith.constant 0 : i32
      %dma_wait3A_14 = tpu.memref_slice %arg4[%mul3A_2, %dma_wait3A_13] : memref<10240x128xf32, #tpu.memory_space<hbm>> -> memref<320x128xf32, #tpu.memory_space<hbm>>
      tpu.wait_dma2 semaphore(%run_scoped3A : memref<!tpu.dma_semaphore, #tpu.memory_space<semaphore_mem>>) src(%arg6 : memref<320x128xf32, #tpu.memory_space<vmem>>) dst(%dma_wait3A_14 : memref<320x128xf32, #tpu.memory_space<hbm>>)
      tpu.yield
    }) : () -> ()
    return
  }
}

#map = affine_map<(d0, d1) -> (0, 0)>
#map1 = affine_map<(d0, d1) -> (0)>
#map2 = affine_map<(d0, d1) -> (0, 0, 0)>
module attributes {stable_mosaic.version = 14 : i64} {
  func.func @edge_agg(%arg0: i32, %arg1: i32, %arg2: memref<10240x128xf32, #tpu.memory_space<hbm>>, %arg3: memref<323584xi32, #tpu.memory_space<hbm>>, %arg4: memref<323584xi32, #tpu.memory_space<hbm>>, %arg5: memref<10240x128xf32, #tpu.memory_space<hbm>>, %arg6: memref<2x10240x128xf32, #tpu.memory_space<hbm>>, %arg7: memref<128xi32, #tpu.memory_space<vmem>>, %arg8: memref<128xi32, #tpu.memory_space<vmem>>, %arg9: memref<128x128xf32, #tpu.memory_space<vmem>>, %arg10: memref<10240x128xf32, #tpu.memory_space<vmem_shared>>, %arg11: memref<!tpu.dma_semaphore, #tpu.memory_space<semaphore_mem>>) attributes {dimension_semantics = [#tpu.dimension_semantics<core_parallel>, #tpu.dimension_semantics<subcore_parallel>], iteration_bounds = array<i64: 2, 16>, scalar_prefetch = 0 : i64, scratch_operands = 5 : i64, tpu.core_type = #tpu.core_type<sc_vector_subcore>, window_params = [{transform_indices = #map}, {transform_indices = #map1}, {transform_indices = #map1}, {transform_indices = #map}, {transform_indices = #map2}]} {
    %mul3A = arith.constant 2 : i32
    %mul3A_0 = arith.muli %arg1, %mul3A : i32
    %add3A = arith.addi %mul3A_0, %arg0 : i32
    %mul3A_1 = arith.constant 640 : i32
    %mul3A_2 = arith.muli %arg1, %mul3A_1 : i32
    %mul3A_3 = arith.constant 640 : i32
    %mul3A_4 = arith.muli %arg1, %mul3A_3 : i32
    "tpu.region"() ({
      %run_scoped3A = tpu.sem_alloc : memref<!tpu.dma_semaphore, #tpu.memory_space<semaphore_mem>>
      %dma_start3A = arith.constant 0 : i32
      %dma_start3A_14 = tpu.memref_slice %arg10[%mul3A_4, %dma_start3A] : memref<10240x128xf32, #tpu.memory_space<vmem_shared>> -> memref<640x128xf32, #tpu.memory_space<vmem_shared>>
      %dma_start3A_15 = arith.constant 0 : i32
      %dma_start3A_16 = tpu.memref_slice %arg5[%mul3A_2, %dma_start3A_15] : memref<10240x128xf32, #tpu.memory_space<hbm>> -> memref<640x128xf32, #tpu.memory_space<hbm>>
      tpu.enqueue_dma source(%dma_start3A_16 : memref<640x128xf32, #tpu.memory_space<hbm>>) target(%dma_start3A_14 : memref<640x128xf32, #tpu.memory_space<vmem_shared>>) target_semaphore(%run_scoped3A : memref<!tpu.dma_semaphore, #tpu.memory_space<semaphore_mem>>)
      %dma_wait3A = arith.constant 0 : i32
      %dma_wait3A_17 = tpu.memref_slice %arg10[%mul3A_4, %dma_wait3A] : memref<10240x128xf32, #tpu.memory_space<vmem_shared>> -> memref<640x128xf32, #tpu.memory_space<vmem_shared>>
      %dma_wait3A_18 = arith.constant 0 : i32
      %dma_wait3A_19 = tpu.memref_slice %arg5[%mul3A_2, %dma_wait3A_18] : memref<10240x128xf32, #tpu.memory_space<hbm>> -> memref<640x128xf32, #tpu.memory_space<hbm>>
      tpu.wait_dma2 semaphore(%run_scoped3A : memref<!tpu.dma_semaphore, #tpu.memory_space<semaphore_mem>>) src(%dma_wait3A_19 : memref<640x128xf32, #tpu.memory_space<hbm>>) dst(%dma_wait3A_17 : memref<640x128xf32, #tpu.memory_space<vmem_shared>>)
      tpu.yield
    }) : () -> ()
    %barrier3A = arith.constant 0 : index
    tpu.barrier barrier_id(%barrier3A)
    %scan3A = arith.constant 0 : i32
    %scan3A_5 = arith.constant 79 : i32
    %scan3A_6 = arith.addi %scan3A, %scan3A_5 : i32
    %scan3A_7 = arith.constant 1 : i32
    scf.for %scan3A_14 = %scan3A to %scan3A_6 step %scan3A_7  : i32 {
      %mul3A_15 = arith.constant 1 : i32
      %mul3A_16 = arith.muli %scan3A_14, %mul3A_15 : i32
      %add3A_17 = arith.constant 0 : i32
      %add3A_18 = arith.addi %add3A_17, %mul3A_16 : i32
      %mul3A_19 = arith.constant 79 : i32
      %mul3A_20 = arith.muli %add3A, %mul3A_19 : i32
      %add3A_21 = arith.addi %mul3A_20, %add3A_18 : i32
      %mul3A_22 = arith.constant 128 : i32
      %mul3A_23 = arith.muli %add3A_21, %mul3A_22 : i32
      "tpu.region"() ({
        %run_scoped3A = tpu.sem_alloc : memref<!tpu.dma_semaphore, #tpu.memory_space<semaphore_mem>>
        %dma_start3A_28 = tpu.memref_slice %arg3[%mul3A_23] : memref<323584xi32, #tpu.memory_space<hbm>> -> memref<128xi32, #tpu.memory_space<hbm>>
        %dma_start3A_29 = tpu.memref_slice %arg3[%mul3A_23] : memref<323584xi32, #tpu.memory_space<hbm>> -> memref<128xi32, #tpu.memory_space<hbm>>
        tpu.enqueue_dma source(%dma_start3A_29 : memref<128xi32, #tpu.memory_space<hbm>>) target(%arg7 : memref<128xi32, #tpu.memory_space<vmem>>) target_semaphore(%run_scoped3A : memref<!tpu.dma_semaphore, #tpu.memory_space<semaphore_mem>>)
        %dma_wait3A_30 = tpu.memref_slice %arg3[%mul3A_23] : memref<323584xi32, #tpu.memory_space<hbm>> -> memref<128xi32, #tpu.memory_space<hbm>>
        %dma_wait3A_31 = tpu.memref_slice %arg3[%mul3A_23] : memref<323584xi32, #tpu.memory_space<hbm>> -> memref<128xi32, #tpu.memory_space<hbm>>
        tpu.wait_dma2 semaphore(%run_scoped3A : memref<!tpu.dma_semaphore, #tpu.memory_space<semaphore_mem>>) src(%dma_wait3A_31 : memref<128xi32, #tpu.memory_space<hbm>>) dst(%arg7 : memref<128xi32, #tpu.memory_space<vmem>>)
        tpu.yield
      }) : () -> ()
      "tpu.region"() ({
        %run_scoped3A = tpu.sem_alloc : memref<!tpu.dma_semaphore, #tpu.memory_space<semaphore_mem>>
        %dma_start3A_28 = tpu.memref_slice %arg4[%mul3A_23] : memref<323584xi32, #tpu.memory_space<hbm>> -> memref<128xi32, #tpu.memory_space<hbm>>
        %dma_start3A_29 = tpu.memref_slice %arg4[%mul3A_23] : memref<323584xi32, #tpu.memory_space<hbm>> -> memref<128xi32, #tpu.memory_space<hbm>>
        tpu.enqueue_dma source(%dma_start3A_29 : memref<128xi32, #tpu.memory_space<hbm>>) target(%arg8 : memref<128xi32, #tpu.memory_space<vmem>>) target_semaphore(%run_scoped3A : memref<!tpu.dma_semaphore, #tpu.memory_space<semaphore_mem>>)
        %dma_wait3A_30 = tpu.memref_slice %arg4[%mul3A_23] : memref<323584xi32, #tpu.memory_space<hbm>> -> memref<128xi32, #tpu.memory_space<hbm>>
        %dma_wait3A_31 = tpu.memref_slice %arg4[%mul3A_23] : memref<323584xi32, #tpu.memory_space<hbm>> -> memref<128xi32, #tpu.memory_space<hbm>>
        tpu.wait_dma2 semaphore(%run_scoped3A : memref<!tpu.dma_semaphore, #tpu.memory_space<semaphore_mem>>) src(%dma_wait3A_31 : memref<128xi32, #tpu.memory_space<hbm>>) dst(%arg8 : memref<128xi32, #tpu.memory_space<vmem>>)
        tpu.yield
      }) : () -> ()
      %dma_start3A = arith.constant 0 : i32
      %dma_start3A_24 = arith.constant 0 : i32
      %dma_start3A_25 = tpu.memref_slice %arg2[%dma_start3A, %dma_start3A_24] : memref<10240x128xf32, #tpu.memory_space<hbm>> -> memref<10240x128xf32, #tpu.memory_space<hbm>>
      tpu.enqueue_indirect_dma source(%dma_start3A_25 : memref<10240x128xf32, #tpu.memory_space<hbm>>) target(%arg9 : memref<128x128xf32, #tpu.memory_space<vmem>>) offsets(%arg7 : memref<128xi32, #tpu.memory_space<vmem>>) semaphore(%arg11 : memref<!tpu.dma_semaphore, #tpu.memory_space<semaphore_mem>>)
      %dma_wait3A = arith.constant 0 : i32
      %dma_wait3A_26 = arith.constant 0 : i32
      %dma_wait3A_27 = tpu.memref_slice %arg2[%dma_wait3A, %dma_wait3A_26] : memref<10240x128xf32, #tpu.memory_space<hbm>> -> memref<10240x128xf32, #tpu.memory_space<hbm>>
      tpu.wait_indirect_dma semaphore(%arg11 : memref<!tpu.dma_semaphore, #tpu.memory_space<semaphore_mem>>) src(%dma_wait3A_27 : memref<10240x128xf32, #tpu.memory_space<hbm>>) dst(%arg9 : memref<128x128xf32, #tpu.memory_space<vmem>>)
      "tpu.region"() ({
        %run_scoped3A = tpu.sem_alloc : memref<!tpu.dma_semaphore, #tpu.memory_space<semaphore_mem>>
        %dma_start3A_28 = arith.constant 0 : i32
        %dma_start3A_29 = arith.constant 0 : i32
        %dma_start3A_30 = tpu.memref_slice %arg10[%dma_start3A_28, %dma_start3A_29] : memref<10240x128xf32, #tpu.memory_space<vmem_shared>> -> memref<10240x128xf32, #tpu.memory_space<vmem_shared>>
        tpu.enqueue_indirect_dma source(%arg9 : memref<128x128xf32, #tpu.memory_space<vmem>>) target(%dma_start3A_30 : memref<10240x128xf32, #tpu.memory_space<vmem_shared>>) offsets(%arg8 : memref<128xi32, #tpu.memory_space<vmem>>) semaphore(%run_scoped3A : memref<!tpu.dma_semaphore, #tpu.memory_space<semaphore_mem>>) {add = true}
        %dma_wait3A_31 = arith.constant 0 : i32
        %dma_wait3A_32 = arith.constant 0 : i32
        %dma_wait3A_33 = tpu.memref_slice %arg10[%dma_wait3A_31, %dma_wait3A_32] : memref<10240x128xf32, #tpu.memory_space<vmem_shared>> -> memref<10240x128xf32, #tpu.memory_space<vmem_shared>>
        tpu.wait_indirect_dma semaphore(%run_scoped3A : memref<!tpu.dma_semaphore, #tpu.memory_space<semaphore_mem>>) src(%arg9 : memref<128x128xf32, #tpu.memory_space<vmem>>) dst(%dma_wait3A_33 : memref<10240x128xf32, #tpu.memory_space<vmem_shared>>)
        tpu.yield
      }) : () -> ()
    }
    %scan3A_8 = arith.constant 79 : i32
    %barrier3A_9 = arith.constant 0 : index
    tpu.barrier barrier_id(%barrier3A_9)
    %mul3A_10 = arith.constant 640 : i32
    %mul3A_11 = arith.muli %arg1, %mul3A_10 : i32
    %mul3A_12 = arith.constant 640 : i32
    %mul3A_13 = arith.muli %arg1, %mul3A_12 : i32
    "tpu.region"() ({
      %run_scoped3A = tpu.sem_alloc : memref<!tpu.dma_semaphore, #tpu.memory_space<semaphore_mem>>
      %dma_start3A = arith.constant 0 : i32
      %dma_start3A_14 = arith.constant 0 : i32
      %dma_start3A_15 = tpu.memref_slice %arg6[%arg0, %dma_start3A, %dma_start3A_14] : memref<2x10240x128xf32, #tpu.memory_space<hbm>> -> memref<1x10240x128xf32, #tpu.memory_space<hbm>>
      %dma_start3A_16 = tpu.memref_squeeze %dma_start3A_15 : memref<1x10240x128xf32, #tpu.memory_space<hbm>> -> memref<10240x128xf32, #tpu.memory_space<hbm>>
      %dma_start3A_17 = arith.constant 0 : i32
      %dma_start3A_18 = tpu.memref_slice %dma_start3A_16[%mul3A_13, %dma_start3A_17] : memref<10240x128xf32, #tpu.memory_space<hbm>> -> memref<640x128xf32, #tpu.memory_space<hbm>>
      %dma_start3A_19 = arith.constant 0 : i32
      %dma_start3A_20 = tpu.memref_slice %arg10[%mul3A_11, %dma_start3A_19] : memref<10240x128xf32, #tpu.memory_space<vmem_shared>> -> memref<640x128xf32, #tpu.memory_space<vmem_shared>>
      tpu.enqueue_dma source(%dma_start3A_20 : memref<640x128xf32, #tpu.memory_space<vmem_shared>>) target(%dma_start3A_18 : memref<640x128xf32, #tpu.memory_space<hbm>>) target_semaphore(%run_scoped3A : memref<!tpu.dma_semaphore, #tpu.memory_space<semaphore_mem>>)
      %dma_wait3A = arith.constant 0 : i32
      %dma_wait3A_21 = arith.constant 0 : i32
      %dma_wait3A_22 = tpu.memref_slice %arg6[%arg0, %dma_wait3A, %dma_wait3A_21] : memref<2x10240x128xf32, #tpu.memory_space<hbm>> -> memref<1x10240x128xf32, #tpu.memory_space<hbm>>
      %dma_wait3A_23 = tpu.memref_squeeze %dma_wait3A_22 : memref<1x10240x128xf32, #tpu.memory_space<hbm>> -> memref<10240x128xf32, #tpu.memory_space<hbm>>
      %dma_wait3A_24 = arith.constant 0 : i32
      %dma_wait3A_25 = tpu.memref_slice %dma_wait3A_23[%mul3A_13, %dma_wait3A_24] : memref<10240x128xf32, #tpu.memory_space<hbm>> -> memref<640x128xf32, #tpu.memory_space<hbm>>
      %dma_wait3A_26 = arith.constant 0 : i32
      %dma_wait3A_27 = tpu.memref_slice %arg10[%mul3A_11, %dma_wait3A_26] : memref<10240x128xf32, #tpu.memory_space<vmem_shared>> -> memref<640x128xf32, #tpu.memory_space<vmem_shared>>
      tpu.wait_dma2 semaphore(%run_scoped3A : memref<!tpu.dma_semaphore, #tpu.memory_space<semaphore_mem>>) src(%dma_wait3A_27 : memref<640x128xf32, #tpu.memory_space<vmem_shared>>) dst(%dma_wait3A_25 : memref<640x128xf32, #tpu.memory_space<hbm>>)
      tpu.yield
    }) : () -> ()
    return
  }
}

module attributes {stable_mosaic.version = 14 : i64} {
  func.func @combine_body(%arg0: i32, %arg1: memref<2x512x128xf32, #tpu.memory_space<vmem>>, %arg2: memref<2x512x128xf32, #tpu.memory_space<vmem>>, %arg3: memref<512x128xf32, #tpu.memory_space<vmem>>, %arg4: memref<128x128xf32, #tpu.memory_space<vmem>>, %arg5: memref<1x128xf32, #tpu.memory_space<vmem>>, %arg6: memref<128x128xf32, #tpu.memory_space<vmem>>, %arg7: memref<512x128xf32, #tpu.memory_space<vmem>>) attributes {dimension_semantics = [#tpu.dimension_semantics<arbitrary>], iteration_bounds = array<i64: 20>, scalar_prefetch = 0 : i64, scratch_operands = 0 : i64, tpu.core_type = #tpu.core_type<tc>, window_params = [{transform_indices = @transform_0, window_bounds = array<i64: 2, 512, 128>}, {transform_indices = @transform_1, window_bounds = array<i64: 2, 512, 128>}, {transform_indices = @transform_2, window_bounds = array<i64: 512, 128>}, {pipeline_mode = #tpu.pipeline_mode<synchronous>, transform_indices = @transform_3, window_bounds = array<i64: 128, 128>}, {pipeline_mode = #tpu.pipeline_mode<synchronous>, transform_indices = @transform_4, window_bounds = array<i64: 1, 128>}, {pipeline_mode = #tpu.pipeline_mode<synchronous>, transform_indices = @transform_5, window_bounds = array<i64: 128, 128>}, {transform_indices = @transform_6, window_bounds = array<i64: 512, 128>}]} {
    %get3A = arith.constant 0 : index
    %get3A_0 = arith.constant 0 : index
    %get3A_1 = arith.constant 0 : index
    %get3A_2 = vector.load %arg1[%get3A, %get3A_0, %get3A_1] : memref<2x512x128xf32, #tpu.memory_space<vmem>>, vector<1x512x128xf32>
    %get3A_3 = vector.shape_cast %get3A_2 : vector<1x512x128xf32> to vector<512x128xf32>
    %get3A_4 = arith.constant 1 : index
    %get3A_5 = arith.constant 0 : index
    %get3A_6 = arith.constant 0 : index
    %get3A_7 = vector.load %arg1[%get3A_4, %get3A_5, %get3A_6] : memref<2x512x128xf32, #tpu.memory_space<vmem>>, vector<1x512x128xf32>
    %get3A_8 = vector.shape_cast %get3A_7 : vector<1x512x128xf32> to vector<512x128xf32>
    %add3A = arith.addf %get3A_3, %get3A_8 : vector<512x128xf32>
    %get3A_9 = arith.constant 0 : index
    %get3A_10 = arith.constant 0 : index
    %get3A_11 = arith.constant 0 : index
    %get3A_12 = vector.load %arg2[%get3A_9, %get3A_10, %get3A_11] : memref<2x512x128xf32, #tpu.memory_space<vmem>>, vector<1x512x1xf32>
    %get3A_13 = vector.shape_cast %get3A_12 : vector<1x512x1xf32> to vector<512x1xf32>
    %get3A_14 = arith.constant 1 : index
    %get3A_15 = arith.constant 0 : index
    %get3A_16 = arith.constant 0 : index
    %get3A_17 = vector.load %arg2[%get3A_14, %get3A_15, %get3A_16] : memref<2x512x128xf32, #tpu.memory_space<vmem>>, vector<1x512x1xf32>
    %get3A_18 = vector.shape_cast %get3A_17 : vector<1x512x1xf32> to vector<512x1xf32>
    %add3A_19 = arith.addf %get3A_13, %get3A_18 : vector<512x1xf32>
    %max3A = arith.constant 1.000000e+00 : f32
    %max3A_20 = vector.broadcast %max3A : f32 to vector<512x1xf32>
    %max3A_21 = arith.maximumf %add3A_19, %max3A_20 : vector<512x1xf32>
    %div3A = arith.constant 1.000000e+00 : f32
    %div3A_22 = vector.broadcast %div3A : f32 to vector<512x1xf32>
    %div3A_23 = arith.divf %div3A_22, %max3A_21 : vector<512x1xf32>
    %mul3A = vector.broadcast %div3A_23 : vector<512x1xf32> to vector<512x128xf32>
    %mul3A_24 = arith.mulf %add3A, %mul3A : vector<512x128xf32>
    %get3A_25 = arith.constant 0 : index
    %get3A_26 = arith.constant 0 : index
    %get3A_27 = vector.load %arg4[%get3A_25, %get3A_26] : memref<128x128xf32, #tpu.memory_space<vmem>>, vector<128x128xf32>
    %dot_general3A = arith.constant dense<0.000000e+00> : vector<512x128xf32>
    %dot_general3A_28 = tpu.matmul %mul3A_24, %get3A_27, %dot_general3A {dimension_numbers = #tpu.dot_dimension_numbers<[1], [0], [0], [1], [0, 0, 1, 1], [], []>, transpose_lhs_hint = false} : vector<512x128xf32>, vector<128x128xf32>, vector<512x128xf32> -> vector<512x128xf32>
    %get3A_29 = arith.constant 0 : index
    %get3A_30 = arith.constant 0 : index
    %get3A_31 = vector.load %arg5[%get3A_29, %get3A_30] : memref<1x128xf32, #tpu.memory_space<vmem>>, vector<1x128xf32>
    %add3A_32 = vector.broadcast %get3A_31 : vector<1x128xf32> to vector<512x128xf32>
    %add3A_33 = arith.addf %dot_general3A_28, %add3A_32 : vector<512x128xf32>
    %get3A_34 = arith.constant 0 : index
    %get3A_35 = arith.constant 0 : index
    %get3A_36 = vector.load %arg3[%get3A_34, %get3A_35] : memref<512x128xf32, #tpu.memory_space<vmem>>, vector<512x128xf32>
    %get3A_37 = arith.constant 0 : index
    %get3A_38 = arith.constant 0 : index
    %get3A_39 = vector.load %arg6[%get3A_37, %get3A_38] : memref<128x128xf32, #tpu.memory_space<vmem>>, vector<128x128xf32>
    %dot_general3A_40 = arith.constant dense<0.000000e+00> : vector<512x128xf32>
    %dot_general3A_41 = tpu.matmul %get3A_36, %get3A_39, %dot_general3A_40 {dimension_numbers = #tpu.dot_dimension_numbers<[1], [0], [0], [1], [0, 0, 1, 1], [], []>, transpose_lhs_hint = false} : vector<512x128xf32>, vector<128x128xf32>, vector<512x128xf32> -> vector<512x128xf32>
    %add3A_42 = arith.addf %add3A_33, %dot_general3A_41 : vector<512x128xf32>
    %max3A_43 = arith.constant 0.000000e+00 : f32
    %max3A_44 = vector.broadcast %max3A_43 : f32 to vector<512x128xf32>
    %max3A_45 = arith.maximumf %add3A_42, %max3A_44 : vector<512x128xf32>
    %swap3A = arith.constant 0 : index
    %swap3A_46 = arith.constant 0 : index
    %swap3A_47 = vector.load %arg7[%swap3A, %swap3A_46] : memref<512x128xf32, #tpu.memory_space<vmem>>, vector<512x128xf32>
    tpu.vector_store %arg7[%swap3A, %swap3A_46], %max3A_45 {strides = array<i32>} : memref<512x128xf32, #tpu.memory_space<vmem>>, vector<512x128xf32>,
    return
  }
  func.func @transform_0(%arg0: i32) -> (i32, i32, i32) {
    %c0_i32 = arith.constant 0 : i32
    %c0_i32_0 = arith.constant 0 : i32
    %c0_i32_1 = arith.constant 0 : i32
    return %c0_i32, %arg0, %c0_i32_0 : i32, i32, i32
  }
  func.func @transform_1(%arg0: i32) -> (i32, i32, i32) {
    %c0_i32 = arith.constant 0 : i32
    %c0_i32_0 = arith.constant 0 : i32
    %c0_i32_1 = arith.constant 0 : i32
    return %c0_i32, %arg0, %c0_i32_0 : i32, i32, i32
  }
  func.func @transform_2(%arg0: i32) -> (i32, i32) {
    %c0_i32 = arith.constant 0 : i32
    %c0_i32_0 = arith.constant 0 : i32
    return %arg0, %c0_i32 : i32, i32
  }
  func.func @transform_3(%arg0: i32) -> (i32, i32) {
    %c0_i32 = arith.constant 0 : i32
    %c0_i32_0 = arith.constant 0 : i32
    %c0_i32_1 = arith.constant 0 : i32
    return %c0_i32, %c0_i32_0 : i32, i32
  }
  func.func @transform_4(%arg0: i32) -> (i32, i32) {
    %c0_i32 = arith.constant 0 : i32
    %c0_i32_0 = arith.constant 0 : i32
    %c0_i32_1 = arith.constant 0 : i32
    return %c0_i32, %c0_i32_0 : i32, i32
  }
  func.func @transform_5(%arg0: i32) -> (i32, i32) {
    %c0_i32 = arith.constant 0 : i32
    %c0_i32_0 = arith.constant 0 : i32
    %c0_i32_1 = arith.constant 0 : i32
    return %c0_i32, %c0_i32_0 : i32, i32
  }
  func.func @transform_6(%arg0: i32) -> (i32, i32) {
    %c0_i32 = arith.constant 0 : i32
    %c0_i32_0 = arith.constant 0 : i32
    return %arg0, %c0_i32 : i32, i32
  }
}

</mosaic_0001>

<sc_bundles>
// kernel: kernel.11.cloned.1.call-start
scs
__scs_entry_jumppad:
0x0: {  	(pc) =	sbr.rel $0x88, $3  }
0x1: {  	(tag) =	ssettag $0x0;
	lr =	simm.s32 $0x1  }
0x2: {  	[smem:$0x3F98] =	sst lr;
	_ =	strace $0xD0000000  }
0x3: {  	_ = 	snop  }
0x4: {  	_ = 	snop  }
0x5: {  	_ = 	snop  }
0x6: {  	_ = 	snop  }
0x7: {  	_ = 	snop  }
__scs_overlays_trampoline_lowered:
0x8: {  	[smem:$0x3FA7] =	sst s0  }
0x9: {  	[smem:$0x3FA8] =	sst s1  }
0xa: {  	[smem:$0x3FA9] =	sst s2  }
0xb: {  	[smem:$0x3FAA] =	sst s3  }
0xc: {  	[smem:$0x3FAB] =	sst s4  }
0xd: {  	[smem:$0x3FAC] =	sst s5  }
0xe: {  	[smem:$0x3FAD] =	sst s6  }
0xf: {  	[smem:$0x3FAE] =	sst s7  }
0x10: {  	[smem:$0x3FAF] =	sst s8  }
0x11: {  	[smem:$0x3FB0] =	sst s9;
	s0 =	simm.s32 @!p0 $0x0  }
0x12: {  	s1 =	sld [smem:$0x3F96];
	s0 =	simm.s32 @p0 $0x1  }
0x13: {  	[smem:$0x3FB1] =	sst s0;
	s0 =	simm.s32 @!p1 $0x0  }
0x14: {  	s2 =	sld [smem:$0x3F95];
	s0 =	simm.s32 @p1 $0x1  }
0x15: {  	[smem:$0x3FB2] =	sst s0;
	s0 =	simm.s32 @!p2 $0x0  }
0x16: {  	s3 =	sld [smem:$0x3FDB];
	s0 =	simm.s32 @p2 $0x1  }
0x17: {  	s4 =	simm.s32 $0x1BF5;
	[smem:$0x3FB4] =	sst s0  }
0x18: {  	s0 =	sld [smem:$0x3F97];
	_ =	swait.ge [sflag:s4], $0x0  }
0x19: {  	s7 =	sld [smem:$0x3F98]  }
0x1a: {  	s8 =	sadd.s32 $0xFFFFE003, lr  }
0x1b: {  	s9 =	sadd.s32 $0xFFFFFEF7, lr;
	s5 =	simm.s32 $0xFFFFFFFF;
	p2 =	slt.u32 s8, $0xFFFFF086  }
0x1c: {  	p1 =	slt.u32 s9, $0xF7A;
	s5 =	simm.s32 @!p2 $0x0  }
0x1d: {  	s5 =	simm.s32 @p1 $0x1;
	p0 =	seq.s32 s7, s2  }
0x1e: {  	s7 =	smul.u32 @!p0 $0xF7A, s2;
	p2 =	seq.s32 @!p0 s5, $0x0  }
0x1f: {  	s9 =	smul.u32 $0xF7A, s1;
	s8 =	simm.s32 @!p0 $0x1BF5;
	p2 =	por !p2, p0  }
0x20: {  	[sflag:s8] =	ssyncset.s32 @!p0 $0xFFFFF086;
	s6 =	sadd.s32 @!p0 s3, s7;
	s7 =	simm.s32 @!p0 $0x108  }
0x21: {  	s3 =	sadd.s32 s3, s9;
	s6 =	sadd.s32 @!p0 $0x88, s6;
	s7 =	simm.s32 @p2 $0x1082  }
0x22: {  	[simem:s7], [sflag:s8] =	dma.local @!p0 [hbm:s6], $0xF7A  }
0x23: {  	s9 =	sor.u32 $0xD0000000, s2;
	s6 =	simm.s32 $0x108;
	_ =	swait.ge @!p0 [sflag:s8], $0x0  }
0x24: {  	s3 =	sadd.s32 $0x88, s3;
	s6 =	simm.s32 @!p1 $0x1082;
	[sflag:s4] =	ssyncset.s32 $0xFFFFF086  }
0x25: {  	[simem:s6], [sflag:s4] =	dma.local [hbm:s3], $0xF7A  }
0x26: {  	[smem:$0x3F98] =	sst s1;
	(tag) =	ssettag s2;
	_ =	strace s9  }
0x27: {  	s1 =	sld [smem:$0x3FA8]  }
0x28: {  	s2 =	sld [smem:$0x3FA9]  }
0x29: {  	s4 =	sld [smem:$0x3FAB]  }
0x2a: {  	p0 =	seq.s32 s5, $0x0;
	s5 =	sld [smem:$0x3FAC]  }
0x2b: {  	s6 =	sld [smem:$0x3FAD]  }
0x2c: {  	s7 =	sld [smem:$0x3FAE]  }
0x2d: {  	s3 =	simm.s32 $0x108;
	s8 =	sld [smem:$0x3FAF]  }
0x2e: {  	s3 =	simm.s32 @!p0 $0x1082;
	s9 =	sld [smem:$0x3FB0]  }
0x2f: {  	lr =	sadd.s32 s0, s3;
	s0 =	sld [smem:$0x3FA7]  }
0x30: {  	s3 =	sld [smem:$0x3FAA]  }
0x31: {  	[smem:$0x3FB3] =	sst s10  }
0x32: {  	s10 =	sld [smem:$0x3FB1];
	_ =	sdelay $0x3  }
0x33: {  	p0 =	seq.s32 s10, $0x1;
	s10 =	sld [smem:$0x3FB3];
	_ =	sdelay $0x3  }
0x34: {  	[smem:$0x3FB3] =	sst s10  }
0x35: {  	s10 =	sld [smem:$0x3FB2];
	_ =	sdelay $0x3  }
0x36: {  	p1 =	seq.s32 s10, $0x1;
	s10 =	sld [smem:$0x3FB3];
	_ =	sdelay $0x3  }
0x37: {  	[smem:$0x3FB3] =	sst s10  }
0x38: {  	s10 =	sld [smem:$0x3FB4]  }
0x39: {  	_ = 	snop;
	(pc) =	sbr.ind lr, $3  }
0x3a: {  	_ = 	snop  }
0x3b: {  	_ = 	snop  }
0x3c: {  	p2 =	seq.s32 s10, $0x1;
	s10 =	sld [smem:$0x3FB3]  }
0x3d: {  	_ =	shalt  }
0x3e: {  	_ =	shalt  }
0x3f: {  	_ =	shalt  }
0x40: {  	_ =	shalt  }
0x41: {  	_ =	shalt  }
0x42: {  	_ =	shalt  }
0x43: {  	_ =	shalt  }
0x44: {  	_ =	shalt  }
0x45: {  	_ =	shalt  }
0x46: {  	_ =	shalt  }
0x47: {  	_ =	shalt  }
0x48: {  	_ =	shalt  }
0x49: {  	_ =	shalt  }
0x4a: {  	_ =	shalt  }
0x4b: {  	_ =	shalt  }
0x4c: {  	_ =	shalt  }
0x4d: {  	_ =	shalt  }
0x4e: {  	_ =	shalt  }
0x4f: {  	_ =	shalt  }
0x50: {  	_ =	shalt  }
0x51: {  	_ =	shalt  }
0x52: {  	_ =	shalt  }
0x53: {  	_ =	shalt  }
0x54: {  	_ =	shalt  }
0x55: {  	_ =	shalt  }
0x56: {  	_ =	shalt  }
0x57: {  	_ =	shalt  }
0x58: {  	_ =	shalt  }
0x59: {  	_ =	shalt  }
0x5a: {  	_ =	shalt  }
0x5b: {  	_ =	shalt  }
0x5c: {  	_ =	shalt  }
0x5d: {  	_ =	shalt  }
0x5e: {  	_ =	shalt  }
0x5f: {  	_ =	shalt  }
0x60: {  	_ =	shalt  }
0x61: {  	_ =	shalt  }
0x62: {  	_ =	shalt  }
0x63: {  	_ =	shalt  }
0x64: {  	_ =	shalt  }
0x65: {  	_ =	shalt  }
0x66: {  	_ =	shalt  }
0x67: {  	_ =	shalt  }
0x68: {  	_ =	shalt  }
0x69: {  	_ =	shalt  }
0x6a: {  	_ =	shalt  }
0x6b: {  	_ =	shalt  }
0x6c: {  	_ =	shalt  }
0x6d: {  	_ =	shalt  }
0x6e: {  	_ =	shalt  }
0x6f: {  	_ =	shalt  }
0x70: {  	_ =	shalt  }
0x71: {  	_ =	shalt  }
0x72: {  	_ =	shalt  }
0x73: {  	_ =	shalt  }
0x74: {  	_ =	shalt  }
0x75: {  	_ =	shalt  }
0x76: {  	_ =	shalt  }
0x77: {  	_ =	shalt  }
0x78: {  	_ =	shalt  }
0x79: {  	_ =	shalt  }
0x7a: {  	_ =	shalt  }
0x7b: {  	_ =	shalt  }
0x7c: {  	_ =	shalt  }
0x7d: {  	_ =	shalt  }
0x7e: {  	_ =	shalt  }
0x7f: {  	_ =	shalt  }
0x80: {  	_ =	shalt  }
0x81: {  	_ =	shalt  }
0x82: {  	_ =	shalt  }
0x83: {  	_ =	shalt  }
0x84: {  	_ =	shalt  }
0x85: {  	_ =	shalt  }
0x86: {  	_ =	shalt  }
0x87: {  	_ =	shalt  }
.Lfunc_end0:
.L_simem_size_0:
called_computation.1_lowered:
.L_overlay_start_0:
0x88: {  	s2 =	sld [smem:$0x3FD9]  }
0x89: {  	s3 =	sld [smem:$0x3FFE];
	_ =	sdelay $0x1  }
0x8a: {  	s1 =	srdreg.scid  }
0x8b: {  	s0 =	sand.u32 $0x1, s1  }
0x8c: {  	s17 =	sshll.u32 s0, $0xA;
	s2 =	sadd.s32 s3, s2  }
0x8d: {  	s2 =	sadd.s32 s2, s17  }
0x8e: {  	[smem:$0x3FBF] =	sst s2  }
0x8f: {  	_ = 	snop  }
0x90: {  	(tm) =	ssettm $0x1  }
0x91: {  	s18 =	sld [smem:$0x3FFB];
	_ =	sdelay $0x3  }
0x92: {  	_ =	strace s18  }
0x93: {  	s2 =	sld [smem:$0x3FFC];
	_ =	sdelay $0x3  }
0x94: {  	_ =	strace s2  }
0x95: {  	s2 =	sld [smem:$0x3FFD];
	_ =	sdelay $0x3  }
0x96: {  	_ =	strace s2  }
0x97: {  	_ =	strace $0x8FFFFFFF  }
0x98: {  	s19 =	sld [smem:$0x3FDB];
	_ =	sdelay $0x1  }
0x99: {  	s20 =	simm.s32 $_scs_section_size  }
0x9a: {  	s4 =	simm.s32 $_size__tile_overlayer_lowered;
	s5 =	simm.s32 $_tile_overlayer_lowered  }
0x9b: {  	s6 =	simm.s32 $0x1BFF;
	s21 =	sshll.u32 s5, $0x1;
	s3 =	sadd.s32 s20, s19  }
0x9c: {  	s22 =	simm.s32 $0x0;
	s4 =	sshll.u32 s4, $0x1;
	s5 =	sadd.s32 s21, s3  }
0x9d: {  	[timem:s22], [sflag:s6] =	dma.local [hbm:s5], s4  }
0x9e: {  	_ =	swait.ge [sflag:s6], s4  }
0x9f: {  	s4 =	ssub.s32 $0x0, s4;
	[sflag:s6] =	ssyncset.done $0x0  }
0xa0: {  	[sflag:s6] =	ssyncadd.s32 s4;
	_ =	sdelay $0x1  }
0xa1: {  	s23 =	simm.s32 $0x1B8B  }
0xa2: {  	_ =	swait.ge [sflag:s23], $0x1  }
0xa3: {  	[sflag:s23] =	ssyncset.done $0x0  }
0xa4: {  	[sflag:s23] =	ssyncadd.s32 $0xFFFFFFFF  }
0xa5: {  	s4 =	sld [smem:$0x0]  }
0xa6: {  	s5 =	sand.u32 $0xFFFFFFFE, s1  }
0xa7: {  	p0 =	sne.s32 s1, s5  }
0xa8: {  	s5 =	sshll.u32 @p0 s5, $0xE  }
0xa9: {  	s5 =	sadd.s32 @p0 $0x11B8D, s5;
	s6 =	sshll.u32 @p0 s4, $0x11  }
0xaa: {  	s5 =	sor.u32 @p0 s6, s5  }
0xab: {  	[sflag:s5] =	ssyncadd.remote.s32 @p0 $0x1;
	_ =	sdelay $0x1  }
0xac: {  	s5 =	simm.s32 @p0 $0x1B8D  }
0xad: {  	_ =	swait.eq @p0 [sflag:s5], $0x1  }
0xae: {  	[sflag:s5] =	ssyncadd.s32 @p0 $0xFFFFFFFF  }
0xaf: {  	s6 =	sshll.u32 @!p0 s1, $0xE  }
0xb0: {  	s6 =	sor.u32 @!p0 $0x4000, s6;
	s5 =	simm.s32 @!p0 $0x1B8D  }
0xb1: {  	s4 =	sshll.u32 @!p0 s4, $0x11;
	s6 =	sadd.s32 @!p0 $0x11B8D, s6;
	_ =	swait.eq @!p0 [sflag:s5], $0x1  }
0xb2: {  	s4 =	sor.u32 @!p0 s4, s6;
	[sflag:s5] =	ssyncadd.s32 @!p0 $0xFFFFFFFF  }
0xb3: {  	s25 =	simm.s32 $0x1B8E;
	s24 =	sld [smem:$0x3FFE];
	[sflag:s4] =	ssyncadd.remote.s32 @!p0 $0x1  }
0xb4: {  	s26 =	simm.s32 $execute0_lowered;
	[smem:$0x3FD2] =	sst s25  }
0xb5: {  	s5 =	sshll.u32 s26, $0x1;
	_ =	strace $0x80000049;
	[dreg:$0x1] =	wrdreg $0xFFFFFFFF  }
0xb6: {  	s28 =	simm.s32 $_size_execute0_lowered;
	s3 =	sadd.s32 s3, s5;
	[dreg:$0x0] =	wrdreg $0x0  }
0xb7: {  	s5 =	sshll.u32 s28, $0x1;
	[dreg:$0x2] =	wrdreg s3  }
0xb8: {  	[dreg:$0x3] =	wrdreg s5  }
0xb9: {  	[dreg:$0x4] =	wrdreg $0xC0  }
0xba: {  	_ =	task [dreg:s22], $0x5FFFF  }
0xbb: {  	[dreg:$0x1] =	wrdreg $0xFFFFFFFF  }
0xbc: {  	[dreg:$0x0] =	wrdreg $0x60  }
0xbd: {  	[dreg:$0x2] =	wrdreg s24  }
0xbe: {  	[dreg:$0x3] =	wrdreg $0x40800  }
0xbf: {  	[dreg:$0x4] =	wrdreg $0x9  }
0xc0: {  	_ =	task.clear_ibuf [dreg:s22], $0x5FFFF;
	_ =	strace $0x90000049  }
0xc1: {  	s29 =	simm.s32 $0x9;
	_ =	strace $0x8000004B  }
0xc2: {  	_ =	swait.ge [sflag:s29], $0x1  }
0xc3: {  	[sflag:s29] =	ssyncadd.s32 $0xFFFFFFFF  }
0xc4: {  	_ =	strace $0x9000004B  }
0xc5: {  	_ =	sfence  }
0xc6: {  	s30 =	sld [smem:$0x0];
	_ =	sdelay $0x2  }
0xc7: {  	s31 =	sshll.u32 s1, $0xD;
	s1 =	sshrl.u32 s1, $0x2  }
0xc8: {  	s4 =	sand.u32 $0x4000, s31;
	s1 =	sadd.s32 s1, s30  }
0xc9: {  	s0 =	sor.u32 s4, s0;
	s1 =	sshll.u32 s1, $0x11  }
0xca: {  	s0 =	sor.u32 s1, s0  }
0xcb: {  	s0 =	sadd.s32 $0x8F2B, s0  }
0xcc: {  	[sflag:s0] =	ssyncadd.remote.s32 $0x1  }
0xcd: {  	_ =	sfence.sel $0xFFFF  }
0xce: {  	[dreg:$0x0] =	wrdreg $0xFFFFFFFF;
	(pc) =	sbr.abs _section_cstart, $3  }
0xcf: {  	[dreg:$0x1] =	wrdreg $0xFFFFFFFF  }
0xd0: {  	_ =	task.clear_ibuf [dreg:s22], $0x2FFFF;
	_ =	strace $0x9FFFFFFF  }
0xd1: {  	(tm) =	ssettm $0x7FFFFFFF  }
tec
execute0_lowered:
.L_overlay_start_1:
0x0: {  	(tag) =	ssettag $0x1  }
0x1: {  	s5 =	rddreg [dreg:$0x0]  }
0x2: {  	s2 =	rddreg [dreg:$0x1];
	s1 =	stileid.u32  }
0x3: {  	s0 =	rddreg [dreg:$0x2];
	s4 =	smul.u32 $0x9E0, s1  }
0x4: {  	s3 =	simm.s32 $0x0;
	s6 =	srdreg.scid;
	s12 =	smul.u32 $0x2800, s1  }
0x5: {  	[smem:$0x7FF] =	sst s3;
	s6 =	sand.u32 $0x1, s6;
	s13 =	smul.u32 $0x50000, s1  }
0x6: {  	s30 =	sshll.u32 s1, $0x6;
	_ =	strace $0x8000004A;
	s7 =	smul.u32 $0x28000, s6  }
0x7: {  	s9 =	ssub.s32 $0x2, s6;
	s31 =	smul.u32 $0x4F0, s6;
	s6 =	sor.u32 $0x1C01, s30  }
0x8: {  	s8 =	sadd.s32 s4, s5;
	s10 =	sadd.s32 s12, s5;
	s11 =	sshrl.u32 s9, $0x1  }
0x9: {  	s4 =	sadd.s32 $0x5CA00, s5;
	s29 =	sshrl.u32 s13, $0x2;
	s13 =	simm.s32 $0x0  }
0xa: {  	s7 =	sadd.s32 s7, s5;
	s9 =	ssub.s32 s9, s11;
	s14 =	sadd.s32 s29, s2  }
0xb: {  	s5 =	sadd.s32 $0x34A00, s10;
	s8 =	sadd.s32 s31, s8;
	s10 =	simm.s32 $0x1  }
0xc: {  	s11 =	simm.s32 $0x80;
	s15 =	sadd.s32 $0x5D200, s7;
	s7 =	smax.u32 s9, $0x1  }
0xd: {  	s8 =	sadd.s32 $0x2AC00, s8;
	s9 =	sshrl.u32 s14, $0x3;
	s12 =	sadd.s32 s12, s15  }
.LBB2_1:
0xe: {  	[spmem:s9], [sflag:s6] =	dma.local [hbm:s5], $0x2800  }
0xf: {  	_ =	swait.ge [sflag:s10], $0x2800  }
0x10: {  	[sflag:s10] =	ssyncset.done $0x0  }
0x11: {  	[sflag:s10] =	ssyncadd.s32 $0xFFFFD800  }
0x12: {  	[tilespmem:s11], [sflag:$0x1] =	stream.linear.gather [hbm4b:s4+s3], $0x4000, $0x38;
	[tilespmem:$0x18080] =	vst v63  }
0x13: {  	_ =	swait.ge [sflag:s10], $0x4000  }
0x14: {  	[sflag:s10] =	ssyncset.done $0x0  }
0x15: {  	[sflag:s10] =	ssyncadd.s32 $0xFFFFC000  }
0x16: {  	s14 =	sadd.s32 $0x0, s8;
	[bflag:$0x0] =	sbarrier.arrive $0xFFFF  }
0x17: {  	[tilespmem:s3], [sflag:$0x1] =	stream.linear.gather [hbm4b:s14+s3], $0x80, $0x38;
	[tilespmem:$0x18080] =	vst v63  }
0x18: {  	_ =	swait.ge [sflag:s10], $0x80  }
0x19: {  	[sflag:s10] =	ssyncset.done $0x0  }
0x1a: {  	[sflag:s10] =	ssyncadd.s32 $0xFFFFFF80  }
0x1b: {  	[spmem:s2] =	stream.indirect.scatter.add.f32 [tilespmem:s11], [sflag:$0x1], $0x80, s3, s11, $0xb8;
	[tilespmem:$0x18080] =	vst v63  }
0x1c: {  	_ =	swait.ge [sflag:s10], $0x4000  }
0x1d: {  	s15 =	simm.s32 $0x20;
	s14 =	simm.s32 $0x10;
	[sflag:s10] =	ssyncset.done $0x0  }
.LBB2_2:
0x1e: {  	s16 =	sadd.s32 s14, s8  }
0x1f: {  	[sflag:s10] =	ssyncadd.s32 $0xFFFFC000;
	s14 =	smov.u32 s15;
	s17 =	sadd.s32 $0x10, s15  }
0x20: {  	[tilespmem:s3], [sflag:$0x1] =	stream.linear.gather [hbm4b:s16+s3], $0x80, $0x38;
	[tilespmem:$0x18080] =	vst v63  }
0x21: {  	p0 =	sne.s32 s15, $0x4E0;
	_ =	swait.ge [sflag:s10], $0x80  }
.Ltmp0:
0x22: {  	[sflag:s10] =	ssyncset.done $0x0;
	(pc) =	sbr.rel @p0 .LBB2_2-.Ltmp0, $4  }
0x23: {  	[sflag:s10] =	ssyncadd.s32 $0xFFFFFF80  }
0x24: {  	[spmem:s2] =	stream.indirect.scatter.add.f32 [tilespmem:s11], [sflag:$0x1], $0x80, s3, s11, $0xb8;
	[tilespmem:$0x18080] =	vst v63  }
0x25: {  	_ =	swait.ge [sflag:s10], $0x4000  }
0x26: {  	s15 =	smov.u32 s17;
	[sflag:s10] =	ssyncset.done $0x0  }
0x27: {  	s14 =	sadd.s32 s14, s8;
	[sflag:s10] =	ssyncadd.s32 $0xFFFFC000  }
0x28: {  	[tilespmem:s3], [sflag:$0x1] =	stream.linear.gather [hbm4b:s14+s3], $0x80, $0x38;
	[tilespmem:$0x18080] =	vst v63  }
0x29: {  	_ =	swait.ge [sflag:s10], $0x80  }
0x2a: {  	[sflag:s10] =	ssyncset.done $0x0  }
0x2b: {  	[sflag:s10] =	ssyncadd.s32 $0xFFFFFF80  }
0x2c: {  	[spmem:s2] =	stream.indirect.scatter.add.f32 [tilespmem:s11], [sflag:$0x1], $0x80, s3, s11, $0xb8;
	[tilespmem:$0x18080] =	vst v63  }
0x2d: {  	_ =	swait.ge [sflag:s10], $0x4000  }
0x2e: {  	s13 =	sadd.s32 $0x1, s13;
	[sflag:s10] =	ssyncset.done $0x0  }
0x2f: {  	p0 =	sne.s32 s13, s7;
	[sflag:s10] =	ssyncadd.s32 $0xFFFFC000  }
.Ltmp1:
0x30: {  	[bflag:$0x0] =	sbarrier.arrive $0xFFFF;
	(pc) =	sbr.rel @p0 .LBB2_1-.Ltmp1, $4  }
0x31: {  	[hbm:s12], [sflag:s6] =	dma.local [spmem:s9], $0x2800  }
0x32: {  	_ =	swait.ge [sflag:s10], $0x2800  }
0x33: {  	[sflag:s10] =	ssyncset.done $0x0  }
0x34: {  	[sflag:s10] =	ssyncadd.s32 $0xFFFFD800  }
0x35: {  	_ =	sfence.sel $0x180000  }
0x36: {  	[bflag:$0x0] =	sbarrier.arrive $0xFFFF  }
0x37: {  	p0 =	sne.s32 s1, $0x0;
	_ =	strace $0x9000004A  }
0x38: {  	s0 =	sadd.s32 @!p0 $0x100000, s0;
	[bflag:$0x2] =	sbarrier.arrive $0xFFFF  }
0x39: {  	[sflag:s0] =	ssyncadd.tile.s32 @!p0 $0x1;
	_ =	shalt  }
.Lfunc_end2:
_tile_overlayer_lowered:
.L_overlay_start_2:
0x3a: {  	(tag) =	ssettag $0x2  }
0x3b: {  	s0 =	rddreg [dreg:$0x0];
	s2 =	stileid.u32  }
0x3c: {  	s1 =	rddreg [dreg:$0x1];
	p0 =	sne.s32 s2, $0x0  }
0x3d: {  	s3 =	rddreg [dreg:$0x2];
	[bflag:$0x3] =	sbarrier.arrive $0xFFFF;
	s2 =	simm.s32 @!p0 $0x1C01  }
0x3e: {  	[timem:s3], [sflag:s2] =	dma.local @!p0 [hbm:s0], s1  }
0x3f: {  	s0 =	simm.s32 @!p0 $0x1  }
0x40: {  	_ =	swait.ge @!p0 [sflag:s0], s1  }
0x41: {  	s1 =	ssub.s32 @!p0 $0x0, s1;
	[sflag:s0] =	ssyncset.done @!p0 $0x0  }
0x42: {  	[sflag:s0] =	ssyncadd.s32 @!p0 s1  }
0x43: {  	[bflag:$0x3] =	sbarrier.arrive $0xFFFF  }
0x44: {  	_ =	shalt  }

// kernel: kernel.14.cloned.1.call-start
scs
__scs_entry_jumppad:
0x0: {  	(pc) =	sbr.rel $0x88, $3  }
0x1: {  	(tag) =	ssettag $0x0;
	lr =	simm.s32 $0x1  }
0x2: {  	[smem:$0x3F98] =	sst lr;
	_ =	strace $0xD0000000  }
0x3: {  	_ = 	snop  }
0x4: {  	_ = 	snop  }
0x5: {  	_ = 	snop  }
0x6: {  	_ = 	snop  }
0x7: {  	_ = 	snop  }
__scs_overlays_trampoline_lowered:
0x8: {  	[smem:$0x3FA7] =	sst s0  }
0x9: {  	[smem:$0x3FA8] =	sst s1  }
0xa: {  	[smem:$0x3FA9] =	sst s2  }
0xb: {  	[smem:$0x3FAA] =	sst s3  }
0xc: {  	[smem:$0x3FAB] =	sst s4  }
0xd: {  	[smem:$0x3FAC] =	sst s5  }
0xe: {  	[smem:$0x3FAD] =	sst s6  }
0xf: {  	[smem:$0x3FAE] =	sst s7  }
0x10: {  	[smem:$0x3FAF] =	sst s8  }
0x11: {  	[smem:$0x3FB0] =	sst s9;
	s0 =	simm.s32 @!p0 $0x0  }
0x12: {  	s1 =	sld [smem:$0x3F96];
	s0 =	simm.s32 @p0 $0x1  }
0x13: {  	[smem:$0x3FB1] =	sst s0;
	s0 =	simm.s32 @!p1 $0x0  }
0x14: {  	s2 =	sld [smem:$0x3F95];
	s0 =	simm.s32 @p1 $0x1  }
0x15: {  	[smem:$0x3FB2] =	sst s0;
	s0 =	simm.s32 @!p2 $0x0  }
0x16: {  	s3 =	sld [smem:$0x3FDB];
	s0 =	simm.s32 @p2 $0x1  }
0x17: {  	s4 =	simm.s32 $0x1BF5;
	[smem:$0x3FB4] =	sst s0  }
0x18: {  	s0 =	sld [smem:$0x3F97];
	_ =	swait.ge [sflag:s4], $0x0  }
0x19: {  	s7 =	sld [smem:$0x3F98]  }
0x1a: {  	s8 =	sadd.s32 $0xFFFFE003, lr  }
0x1b: {  	s9 =	sadd.s32 $0xFFFFFEF7, lr;
	s5 =	simm.s32 $0xFFFFFFFF;
	p2 =	slt.u32 s8, $0xFFFFF086  }
0x1c: {  	p1 =	slt.u32 s9, $0xF7A;
	s5 =	simm.s32 @!p2 $0x0  }
0x1d: {  	s5 =	simm.s32 @p1 $0x1;
	p0 =	seq.s32 s7, s2  }
0x1e: {  	s7 =	smul.u32 @!p0 $0xF7A, s2;
	p2 =	seq.s32 @!p0 s5, $0x0  }
0x1f: {  	s9 =	smul.u32 $0xF7A, s1;
	s8 =	simm.s32 @!p0 $0x1BF5;
	p2 =	por !p2, p0  }
0x20: {  	[sflag:s8] =	ssyncset.s32 @!p0 $0xFFFFF086;
	s6 =	sadd.s32 @!p0 s3, s7;
	s7 =	simm.s32 @!p0 $0x108  }
0x21: {  	s3 =	sadd.s32 s3, s9;
	s6 =	sadd.s32 @!p0 $0x88, s6;
	s7 =	simm.s32 @p2 $0x1082  }
0x22: {  	[simem:s7], [sflag:s8] =	dma.local @!p0 [hbm:s6], $0xF7A  }
0x23: {  	s9 =	sor.u32 $0xD0000000, s2;
	s6 =	simm.s32 $0x108;
	_ =	swait.ge @!p0 [sflag:s8], $0x0  }
0x24: {  	s3 =	sadd.s32 $0x88, s3;
	s6 =	simm.s32 @!p1 $0x1082;
	[sflag:s4] =	ssyncset.s32 $0xFFFFF086  }
0x25: {  	[simem:s6], [sflag:s4] =	dma.local [hbm:s3], $0xF7A  }
0x26: {  	[smem:$0x3F98] =	sst s1;
	(tag) =	ssettag s2;
	_ =	strace s9  }
0x27: {  	s1 =	sld [smem:$0x3FA8]  }
0x28: {  	s2 =	sld [smem:$0x3FA9]  }
0x29: {  	s4 =	sld [smem:$0x3FAB]  }
0x2a: {  	p0 =	seq.s32 s5, $0x0;
	s5 =	sld [smem:$0x3FAC]  }
0x2b: {  	s6 =	sld [smem:$0x3FAD]  }
0x2c: {  	s7 =	sld [smem:$0x3FAE]  }
0x2d: {  	s3 =	simm.s32 $0x108;
	s8 =	sld [smem:$0x3FAF]  }
0x2e: {  	s3 =	simm.s32 @!p0 $0x1082;
	s9 =	sld [smem:$0x3FB0]  }
0x2f: {  	lr =	sadd.s32 s0, s3;
	s0 =	sld [smem:$0x3FA7]  }
0x30: {  	s3 =	sld [smem:$0x3FAA]  }
0x31: {  	[smem:$0x3FB3] =	sst s10  }
0x32: {  	s10 =	sld [smem:$0x3FB1];
	_ =	sdelay $0x3  }
0x33: {  	p0 =	seq.s32 s10, $0x1;
	s10 =	sld [smem:$0x3FB3];
	_ =	sdelay $0x3  }
0x34: {  	[smem:$0x3FB3] =	sst s10  }
0x35: {  	s10 =	sld [smem:$0x3FB2];
	_ =	sdelay $0x3  }
0x36: {  	p1 =	seq.s32 s10, $0x1;
	s10 =	sld [smem:$0x3FB3];
	_ =	sdelay $0x3  }
0x37: {  	[smem:$0x3FB3] =	sst s10  }
0x38: {  	s10 =	sld [smem:$0x3FB4]  }
0x39: {  	_ = 	snop;
	(pc) =	sbr.ind lr, $3  }
0x3a: {  	_ = 	snop  }
0x3b: {  	_ = 	snop  }
0x3c: {  	p2 =	seq.s32 s10, $0x1;
	s10 =	sld [smem:$0x3FB3]  }
0x3d: {  	_ =	shalt  }
0x3e: {  	_ =	shalt  }
0x3f: {  	_ =	shalt  }
0x40: {  	_ =	shalt  }
0x41: {  	_ =	shalt  }
0x42: {  	_ =	shalt  }
0x43: {  	_ =	shalt  }
0x44: {  	_ =	shalt  }
0x45: {  	_ =	shalt  }
0x46: {  	_ =	shalt  }
0x47: {  	_ =	shalt  }
0x48: {  	_ =	shalt  }
0x49: {  	_ =	shalt  }
0x4a: {  	_ =	shalt  }
0x4b: {  	_ =	shalt  }
0x4c: {  	_ =	shalt  }
0x4d: {  	_ =	shalt  }
0x4e: {  	_ =	shalt  }
0x4f: {  	_ =	shalt  }
0x50: {  	_ =	shalt  }
0x51: {  	_ =	shalt  }
0x52: {  	_ =	shalt  }
0x53: {  	_ =	shalt  }
0x54: {  	_ =	shalt  }
0x55: {  	_ =	shalt  }
0x56: {  	_ =	shalt  }
0x57: {  	_ =	shalt  }
0x58: {  	_ =	shalt  }
0x59: {  	_ =	shalt  }
0x5a: {  	_ =	shalt  }
0x5b: {  	_ =	shalt  }
0x5c: {  	_ =	shalt  }
0x5d: {  	_ =	shalt  }
0x5e: {  	_ =	shalt  }
0x5f: {  	_ =	shalt  }
0x60: {  	_ =	shalt  }
0x61: {  	_ =	shalt  }
0x62: {  	_ =	shalt  }
0x63: {  	_ =	shalt  }
0x64: {  	_ =	shalt  }
0x65: {  	_ =	shalt  }
0x66: {  	_ =	shalt  }
0x67: {  	_ =	shalt  }
0x68: {  	_ =	shalt  }
0x69: {  	_ =	shalt  }
0x6a: {  	_ =	shalt  }
0x6b: {  	_ =	shalt  }
0x6c: {  	_ =	shalt  }
0x6d: {  	_ =	shalt  }
0x6e: {  	_ =	shalt  }
0x6f: {  	_ =	shalt  }
0x70: {  	_ =	shalt  }
0x71: {  	_ =	shalt  }
0x72: {  	_ =	shalt  }
0x73: {  	_ =	shalt  }
0x74: {  	_ =	shalt  }
0x75: {  	_ =	shalt  }
0x76: {  	_ =	shalt  }
0x77: {  	_ =	shalt  }
0x78: {  	_ =	shalt  }
0x79: {  	_ =	shalt  }
0x7a: {  	_ =	shalt  }
0x7b: {  	_ =	shalt  }
0x7c: {  	_ =	shalt  }
0x7d: {  	_ =	shalt  }
0x7e: {  	_ =	shalt  }
0x7f: {  	_ =	shalt  }
0x80: {  	_ =	shalt  }
0x81: {  	_ =	shalt  }
0x82: {  	_ =	shalt  }
0x83: {  	_ =	shalt  }
0x84: {  	_ =	shalt  }
0x85: {  	_ =	shalt  }
0x86: {  	_ =	shalt  }
0x87: {  	_ =	shalt  }
.Lfunc_end0:
.L_simem_size_0:
called_computation.2_lowered:
.L_overlay_start_0:
0x88: {  	s2 =	sld [smem:$0x3FD9]  }
0x89: {  	s3 =	sld [smem:$0x3FFE];
	_ =	sdelay $0x1  }
0x8a: {  	s1 =	srdreg.scid  }
0x8b: {  	s0 =	sand.u32 $0x1, s1  }
0x8c: {  	s17 =	sshll.u32 s0, $0xA;
	s2 =	sadd.s32 s3, s2  }
0x8d: {  	s2 =	sadd.s32 s2, s17  }
0x8e: {  	[smem:$0x3FBF] =	sst s2  }
0x8f: {  	_ = 	snop  }
0x90: {  	s18 =	sld [smem:$0x3FD0];
	(tm) =	ssettm $0x1  }
0x91: {  	s19 =	sld [smem:$0x3FFB];
	_ =	sdelay $0x3  }
0x92: {  	_ =	strace s19  }
0x93: {  	s2 =	sld [smem:$0x3FFC];
	_ =	sdelay $0x3  }
0x94: {  	_ =	strace s2  }
0x95: {  	s2 =	sld [smem:$0x3FFD];
	_ =	sdelay $0x3  }
0x96: {  	_ =	strace s2  }
0x97: {  	_ =	strace $0x8FFFFFFF  }
0x98: {  	s20 =	sld [smem:$0x3FDB];
	_ =	sdelay $0x1  }
0x99: {  	s4 =	simm.s32 $_scs_section_size  }
0x9a: {  	s5 =	simm.s32 $_size__tile_overlayer_lowered;
	s6 =	simm.s32 $_tile_overlayer_lowered  }
0x9b: {  	s7 =	simm.s32 $0x1BFF;
	s21 =	sshll.u32 s6, $0x1;
	s4 =	sadd.s32 s4, s20  }
0x9c: {  	s22 =	simm.s32 $0x0;
	s5 =	sshll.u32 s5, $0x1;
	s6 =	sadd.s32 s21, s4  }
0x9d: {  	[timem:s22], [sflag:s7] =	dma.local [hbm:s6], s5  }
0x9e: {  	_ =	swait.ge [sflag:s7], s5  }
0x9f: {  	s5 =	ssub.s32 $0x0, s5;
	[sflag:s7] =	ssyncset.done $0x0  }
0xa0: {  	[sflag:s7] =	ssyncadd.s32 s5;
	_ =	sdelay $0x1  }
0xa1: {  	s23 =	simm.s32 $0x1B8B  }
0xa2: {  	_ =	swait.ge [sflag:s23], $0x1  }
0xa3: {  	[sflag:s23] =	ssyncset.done $0x0  }
0xa4: {  	[sflag:s23] =	ssyncadd.s32 $0xFFFFFFFF  }
0xa5: {  	s5 =	sld [smem:$0x0]  }
0xa6: {  	s6 =	sand.u32 $0xFFFFFFFE, s1  }
0xa7: {  	p0 =	sne.s32 s1, s6  }
0xa8: {  	s6 =	sshll.u32 @p0 s6, $0xE  }
0xa9: {  	s6 =	sadd.s32 @p0 $0x11B8D, s6;
	s7 =	sshll.u32 @p0 s5, $0x11  }
0xaa: {  	s6 =	sor.u32 @p0 s7, s6  }
0xab: {  	[sflag:s6] =	ssyncadd.remote.s32 @p0 $0x1;
	_ =	sdelay $0x1  }
0xac: {  	s6 =	simm.s32 @p0 $0x1B8D  }
0xad: {  	_ =	swait.eq @p0 [sflag:s6], $0x1  }
0xae: {  	[sflag:s6] =	ssyncadd.s32 @p0 $0xFFFFFFFF  }
0xaf: {  	s7 =	sshll.u32 @!p0 s1, $0xE  }
0xb0: {  	s7 =	sor.u32 @!p0 $0x4000, s7;
	s6 =	simm.s32 @!p0 $0x1B8D  }
0xb1: {  	s5 =	sshll.u32 @!p0 s5, $0x11;
	s7 =	sadd.s32 @!p0 $0x11B8D, s7;
	_ =	swait.eq @!p0 [sflag:s6], $0x1  }
0xb2: {  	s5 =	sor.u32 @!p0 s5, s7;
	[sflag:s6] =	ssyncadd.s32 @!p0 $0xFFFFFFFF  }
0xb3: {  	s25 =	simm.s32 $0x1B8E;
	s24 =	sld [smem:$0x3FFE];
	[sflag:s5] =	ssyncadd.remote.s32 @!p0 $0x1  }
0xb4: {  	s26 =	simm.s32 $execute0_lowered;
	[smem:$0x3FD2] =	sst s25  }
0xb5: {  	s6 =	sshll.u32 s26, $0x1;
	_ =	strace $0x8000004C;
	[dreg:$0x1] =	wrdreg $0xFFFFFFFF  }
0xb6: {  	s28 =	simm.s32 $_size_execute0_lowered;
	s4 =	sadd.s32 s4, s6;
	[dreg:$0x0] =	wrdreg $0x0  }
0xb7: {  	s6 =	sshll.u32 s28, $0x1;
	[dreg:$0x2] =	wrdreg s4  }
0xb8: {  	[dreg:$0x3] =	wrdreg s6  }
0xb9: {  	[dreg:$0x4] =	wrdreg $0xC0  }
0xba: {  	_ =	task [dreg:s22], $0x5FFFF  }
0xbb: {  	[dreg:$0x1] =	wrdreg $0xFFFFFFFF  }
0xbc: {  	[dreg:$0x0] =	wrdreg $0x60  }
0xbd: {  	[dreg:$0x2] =	wrdreg s24  }
0xbe: {  	[dreg:$0x3] =	wrdreg s18  }
0xbf: {  	[dreg:$0x4] =	wrdreg $0x41000  }
0xc0: {  	[dreg:$0x5] =	wrdreg $0xA  }
0xc1: {  	_ =	task.clear_ibuf [dreg:s22], $0x6FFFF;
	_ =	strace $0x9000004C  }
0xc2: {  	s29 =	simm.s32 $0xA;
	_ =	strace $0x8000004E  }
0xc3: {  	_ =	swait.ge [sflag:s29], $0x1  }
0xc4: {  	[sflag:s29] =	ssyncadd.s32 $0xFFFFFFFF  }
0xc5: {  	_ =	strace $0x9000004E  }
0xc6: {  	_ =	sfence  }
0xc7: {  	s30 =	sld [smem:$0x0];
	_ =	sdelay $0x2  }
0xc8: {  	s31 =	sshll.u32 s1, $0xD;
	s1 =	sshrl.u32 s1, $0x2  }
0xc9: {  	s4 =	sand.u32 $0x4000, s31;
	s1 =	sadd.s32 s1, s30  }
0xca: {  	s0 =	sor.u32 s4, s0;
	s1 =	sshll.u32 s1, $0x11  }
0xcb: {  	s0 =	sor.u32 s1, s0  }
0xcc: {  	s0 =	sadd.s32 $0x8F2B, s0  }
0xcd: {  	[sflag:s0] =	ssyncadd.remote.s32 $0x1  }
0xce: {  	_ =	sfence.sel $0xFFFF  }
0xcf: {  	[dreg:$0x0] =	wrdreg $0xFFFFFFFF;
	(pc) =	sbr.abs _section_cstart, $3  }
0xd0: {  	[dreg:$0x1] =	wrdreg $0xFFFFFFFF  }
0xd1: {  	_ =	task.clear_ibuf [dreg:s22], $0x2FFFF;
	_ =	strace $0x9FFFFFFF  }
0xd2: {  	(tm) =	ssettm $0x7FFFFFFF  }
0xd3: {  	_ =	shalt  }
tec
execute0_lowered:
.L_overlay_start_1:
0x0: {  	(tag) =	ssettag $0x1  }
0x1: {  	s5 =	rddreg [dreg:$0x0]  }
0x2: {  	s8 =	rddreg [dreg:$0x1]  }
0x3: {  	s2 =	rddreg [dreg:$0x2]  }
0x4: {  	s0 =	rddreg [dreg:$0x3];
	s1 =	stileid.u32  }
0x5: {  	s3 =	simm.s32 $0x0;
	s4 =	srdreg.scid;
	s9 =	smul.u32 $0x9E0, s1  }
0x6: {  	[smem:$0x7FF] =	sst s3;
	s15 =	smul.u32 $0x2800, s1  }
0x7: {  	s6 =	sand.u32 $0x1, s4;
	s4 =	sadd.s32 $0x2C00, s5;
	s11 =	smul.u32 $0x50000, s1  }
0x8: {  	s30 =	sshll.u32 s1, $0x6;
	_ =	strace $0x8000004D;
	s7 =	smul.u32 $0x28000, s6  }
0x9: {  	s10 =	ssub.s32 $0x2, s6;
	s16 =	smul.u32 $0x4F0, s6;
	s6 =	sor.u32 $0x1C02, s30  }
0xa: {  	s12 =	sadd.s32 s9, s5;
	s13 =	sadd.s32 s15, s5;
	s14 =	sshrl.u32 s10, $0x1  }
0xb: {  	s29 =	sshrl.u32 s11, $0x2;
	s9 =	sadd.s32 s9, s8;
	s7 =	sadd.s32 s7, s5  }
0xc: {  	s10 =	ssub.s32 s10, s14;
	s11 =	sadd.s32 s29, s2;
	s5 =	sadd.s32 $0x34A00, s13  }
0xd: {  	s31 =	sadd.s32 s16, s12;
	s9 =	sadd.s32 s16, s9;
	s12 =	simm.s32 $0x80  }
0xe: {  	s13 =	simm.s32 $0x100;
	s14 =	simm.s32 $0x1;
	s16 =	simm.s32 $0x0  }
0xf: {  	s17 =	sadd.s32 $0xAD200, s7;
	s7 =	smax.u32 s10, $0x1;
	s8 =	sadd.s32 $0x2AC00, s31  }
0x10: {  	s10 =	sshrl.u32 s11, $0x3;
	s11 =	simm.s32 $0x2;
	s15 =	sadd.s32 s15, s17  }
.LBB2_1:
0x11: {  	[spmem:s10], [sflag:s6] =	dma.local [hbm:s5], $0x2800  }
0x12: {  	_ =	swait.ge [sflag:s11], $0x2800  }
0x13: {  	[sflag:s11] =	ssyncset.done $0x0  }
0x14: {  	[sflag:s11] =	ssyncadd.s32 $0xFFFFD800  }
0x15: {  	s17 =	sadd.s32 $0x0, s9;
	[bflag:$0x0] =	sbarrier.arrive $0xFFFF  }
0x16: {  	[tilespmem:s3], [sflag:$0x2] =	stream.linear.gather [hbm4b:s17+s3], $0x80, $0x38;
	[tilespmem:$0x18100] =	vst v63  }
0x17: {  	_ =	swait.ge [sflag:s11], $0x80  }
0x18: {  	[sflag:s11] =	ssyncset.done $0x0  }
0x19: {  	s31 =	sadd.s32 $0x0, s8;
	[sflag:s11] =	ssyncadd.s32 $0xFFFFFF80  }
0x1a: {  	[tilespmem:s12], [sflag:$0x2] =	stream.linear.gather [hbm4b:s31+s3], $0x80, $0x38;
	[tilespmem:$0x18100] =	vst v63  }
0x1b: {  	_ =	swait.ge [sflag:s11], $0x80  }
0x1c: {  	[sflag:s11] =	ssyncset.done $0x0  }
0x1d: {  	[sflag:s11] =	ssyncadd.s32 $0xFFFFFF80  }
0x1e: {  	[tilespmem:s13], [sflag:$0x1] =	stream.indirect.gather [hbm4b:s4+s12], $0x80, s3, s12, $0xb8;
	[tilespmem:$0x18100] =	vst v63  }
0x1f: {  	_ =	swait.ge [sflag:s14], $0x4000  }
0x20: {  	[sflag:s14] =	ssyncset.done $0x0  }
0x21: {  	[sflag:s14] =	ssyncadd.s32 $0xFFFFC000  }
0x22: {  	[spmem:s2] =	stream.indirect.scatter.add.f32 [tilespmem:s13], [sflag:$0x2], $0x80, s12, s12, $0xb8;
	[tilespmem:$0x18100] =	vst v63  }
0x23: {  	_ =	swait.ge [sflag:s11], $0x4000  }
0x24: {  	s18 =	simm.s32 $0x20;
	s17 =	simm.s32 $0x10;
	[sflag:s11] =	ssyncset.done $0x0  }
.LBB2_2:
0x25: {  	s19 =	sadd.s32 s17, s9  }
0x26: {  	[sflag:s11] =	ssyncadd.s32 $0xFFFFC000;
	s20 =	smov.u32 s18;
	s21 =	sadd.s32 $0x10, s18  }
0x27: {  	[tilespmem:s3], [sflag:$0x2] =	stream.linear.gather [hbm4b:s19+s3], $0x80, $0x38;
	[tilespmem:$0x18100] =	vst v63  }
0x28: {  	p0 =	sne.s32 s18, $0x4E0;
	_ =	swait.ge [sflag:s11], $0x80  }
0x29: {  	[sflag:s11] =	ssyncset.done $0x0  }
0x2a: {  	s18 =	sadd.s32 s17, s8;
	s17 =	smov.u32 s20;
	[sflag:s11] =	ssyncadd.s32 $0xFFFFFF80  }
0x2b: {  	[tilespmem:s12], [sflag:$0x2] =	stream.linear.gather [hbm4b:s18+s3], $0x80, $0x38;
	[tilespmem:$0x18100] =	vst v63  }
0x2c: {  	_ =	swait.ge [sflag:s11], $0x80  }
0x2d: {  	[sflag:s11] =	ssyncset.done $0x0  }
0x2e: {  	[sflag:s11] =	ssyncadd.s32 $0xFFFFFF80  }
0x2f: {  	[tilespmem:s13], [sflag:$0x1] =	stream.indirect.gather [hbm4b:s4+s12], $0x80, s3, s12, $0xb8;
	[tilespmem:$0x18100] =	vst v63  }
0x30: {  	_ =	swait.ge [sflag:s14], $0x4000  }
.Ltmp0:
0x31: {  	[sflag:s14] =	ssyncset.done $0x0;
	(pc) =	sbr.rel @p0 .LBB2_2-.Ltmp0, $4  }
0x32: {  	[sflag:s14] =	ssyncadd.s32 $0xFFFFC000  }
0x33: {  	[spmem:s2] =	stream.indirect.scatter.add.f32 [tilespmem:s13], [sflag:$0x2], $0x80, s12, s12, $0xb8;
	[tilespmem:$0x18100] =	vst v63  }
0x34: {  	_ =	swait.ge [sflag:s11], $0x4000  }
0x35: {  	s18 =	smov.u32 s21;
	[sflag:s11] =	ssyncset.done $0x0  }
0x36: {  	s18 =	sadd.s32 s17, s9;
	[sflag:s11] =	ssyncadd.s32 $0xFFFFC000  }
0x37: {  	[tilespmem:s3], [sflag:$0x2] =	stream.linear.gather [hbm4b:s18+s3], $0x80, $0x38;
	[tilespmem:$0x18100] =	vst v63  }
0x38: {  	_ =	swait.ge [sflag:s11], $0x80  }
0x39: {  	[sflag:s11] =	ssyncset.done $0x0  }
0x3a: {  	s31 =	sadd.s32 s17, s8;
	[sflag:s11] =	ssyncadd.s32 $0xFFFFFF80  }
0x3b: {  	[tilespmem:s12], [sflag:$0x2] =	stream.linear.gather [hbm4b:s31+s3], $0x80, $0x38;
	[tilespmem:$0x18100] =	vst v63  }
0x3c: {  	_ =	swait.ge [sflag:s11], $0x80  }
0x3d: {  	[sflag:s11] =	ssyncset.done $0x0  }
0x3e: {  	[sflag:s11] =	ssyncadd.s32 $0xFFFFFF80  }
0x3f: {  	[tilespmem:s13], [sflag:$0x1] =	stream.indirect.gather [hbm4b:s4+s12], $0x80, s3, s12, $0xb8;
	[tilespmem:$0x18100] =	vst v63  }
0x40: {  	_ =	swait.ge [sflag:s14], $0x4000  }
0x41: {  	[sflag:s14] =	ssyncset.done $0x0  }
0x42: {  	[sflag:s14] =	ssyncadd.s32 $0xFFFFC000  }
0x43: {  	[spmem:s2] =	stream.indirect.scatter.add.f32 [tilespmem:s13], [sflag:$0x2], $0x80, s12, s12, $0xb8;
	[tilespmem:$0x18100] =	vst v63  }
0x44: {  	_ =	swait.ge [sflag:s11], $0x4000  }
0x45: {  	s16 =	sadd.s32 $0x1, s16;
	[sflag:s11] =	ssyncset.done $0x0  }
0x46: {  	p0 =	sne.s32 s16, s7;
	[sflag:s11] =	ssyncadd.s32 $0xFFFFC000  }
.Ltmp1:
0x47: {  	[bflag:$0x0] =	sbarrier.arrive $0xFFFF;
	(pc) =	sbr.rel @p0 .LBB2_1-.Ltmp1, $4  }
0x48: {  	[hbm:s15], [sflag:s6] =	dma.local [spmem:s10], $0x2800  }
0x49: {  	_ =	swait.ge [sflag:s11], $0x2800  }
0x4a: {  	[sflag:s11] =	ssyncset.done $0x0  }
0x4b: {  	[sflag:s11] =	ssyncadd.s32 $0xFFFFD800  }
0x4c: {  	_ =	sfence.sel $0x180000  }
0x4d: {  	[bflag:$0x0] =	sbarrier.arrive $0xFFFF  }
0x4e: {  	p0 =	sne.s32 s1, $0x0;
	_ =	strace $0x9000004D  }
0x4f: {  	s0 =	sadd.s32 @!p0 $0x100000, s0;
	[bflag:$0x2] =	sbarrier.arrive $0xFFFF  }
0x50: {  	[sflag:s0] =	ssyncadd.tile.s32 @!p0 $0x1;
	_ =	shalt  }
.Lfunc_end2:
_tile_overlayer_lowered:
.L_overlay_start_2:
0x51: {  	(tag) =	ssettag $0x2  }
0x52: {  	s0 =	rddreg [dreg:$0x0];
	s2 =	stileid.u32  }
0x53: {  	s1 =	rddreg [dreg:$0x1];
	p0 =	sne.s32 s2, $0x0  }
0x54: {  	s3 =	rddreg [dreg:$0x2];
	[bflag:$0x3] =	sbarrier.arrive $0xFFFF;
	s2 =	simm.s32 @!p0 $0x1C02  }
0x55: {  	[timem:s3], [sflag:s2] =	dma.local @!p0 [hbm:s0], s1  }
0x56: {  	s0 =	simm.s32 @!p0 $0x2  }
0x57: {  	_ =	swait.ge @!p0 [sflag:s0], s1  }
0x58: {  	s1 =	ssub.s32 @!p0 $0x0, s1;
	[sflag:s0] =	ssyncset.done @!p0 $0x0  }
0x59: {  	[sflag:s0] =	ssyncadd.s32 @!p0 s1  }
0x5a: {  	[bflag:$0x3] =	sbarrier.arrive $0xFFFF  }
0x5b: {  	_ =	shalt  }

// kernel: kernel.17.cloned.1.call-start
scs
__scs_entry_jumppad:
0x0: {  	(pc) =	sbr.rel $0x88, $3  }
0x1: {  	(tag) =	ssettag $0x0;
	lr =	simm.s32 $0x1  }
0x2: {  	[smem:$0x3F98] =	sst lr;
	_ =	strace $0xD0000000  }
0x3: {  	_ = 	snop  }
0x4: {  	_ = 	snop  }
0x5: {  	_ = 	snop  }
0x6: {  	_ = 	snop  }
0x7: {  	_ = 	snop  }
__scs_overlays_trampoline_lowered:
0x8: {  	[smem:$0x3FA7] =	sst s0  }
0x9: {  	[smem:$0x3FA8] =	sst s1  }
0xa: {  	[smem:$0x3FA9] =	sst s2  }
0xb: {  	[smem:$0x3FAA] =	sst s3  }
0xc: {  	[smem:$0x3FAB] =	sst s4  }
0xd: {  	[smem:$0x3FAC] =	sst s5  }
0xe: {  	[smem:$0x3FAD] =	sst s6  }
0xf: {  	[smem:$0x3FAE] =	sst s7  }
0x10: {  	[smem:$0x3FAF] =	sst s8  }
0x11: {  	[smem:$0x3FB0] =	sst s9;
	s0 =	simm.s32 @!p0 $0x0  }
0x12: {  	s1 =	sld [smem:$0x3F96];
	s0 =	simm.s32 @p0 $0x1  }
0x13: {  	[smem:$0x3FB1] =	sst s0;
	s0 =	simm.s32 @!p1 $0x0  }
0x14: {  	s2 =	sld [smem:$0x3F95];
	s0 =	simm.s32 @p1 $0x1  }
0x15: {  	[smem:$0x3FB2] =	sst s0;
	s0 =	simm.s32 @!p2 $0x0  }
0x16: {  	s3 =	sld [smem:$0x3FDB];
	s0 =	simm.s32 @p2 $0x1  }
0x17: {  	s4 =	simm.s32 $0x1BF5;
	[smem:$0x3FB4] =	sst s0  }
0x18: {  	s0 =	sld [smem:$0x3F97];
	_ =	swait.ge [sflag:s4], $0x0  }
0x19: {  	s7 =	sld [smem:$0x3F98]  }
0x1a: {  	s8 =	sadd.s32 $0xFFFFE003, lr  }
0x1b: {  	s9 =	sadd.s32 $0xFFFFFEF7, lr;
	s5 =	simm.s32 $0xFFFFFFFF;
	p2 =	slt.u32 s8, $0xFFFFF086  }
0x1c: {  	p1 =	slt.u32 s9, $0xF7A;
	s5 =	simm.s32 @!p2 $0x0  }
0x1d: {  	s5 =	simm.s32 @p1 $0x1;
	p0 =	seq.s32 s7, s2  }
0x1e: {  	s7 =	smul.u32 @!p0 $0xF7A, s2;
	p2 =	seq.s32 @!p0 s5, $0x0  }
0x1f: {  	s9 =	smul.u32 $0xF7A, s1;
	s8 =	simm.s32 @!p0 $0x1BF5;
	p2 =	por !p2, p0  }
0x20: {  	[sflag:s8] =	ssyncset.s32 @!p0 $0xFFFFF086;
	s6 =	sadd.s32 @!p0 s3, s7;
	s7 =	simm.s32 @!p0 $0x108  }
0x21: {  	s3 =	sadd.s32 s3, s9;
	s6 =	sadd.s32 @!p0 $0x88, s6;
	s7 =	simm.s32 @p2 $0x1082  }
0x22: {  	[simem:s7], [sflag:s8] =	dma.local @!p0 [hbm:s6], $0xF7A  }
0x23: {  	s9 =	sor.u32 $0xD0000000, s2;
	s6 =	simm.s32 $0x108;
	_ =	swait.ge @!p0 [sflag:s8], $0x0  }
0x24: {  	s3 =	sadd.s32 $0x88, s3;
	s6 =	simm.s32 @!p1 $0x1082;
	[sflag:s4] =	ssyncset.s32 $0xFFFFF086  }
0x25: {  	[simem:s6], [sflag:s4] =	dma.local [hbm:s3], $0xF7A  }
0x26: {  	[smem:$0x3F98] =	sst s1;
	(tag) =	ssettag s2;
	_ =	strace s9  }
0x27: {  	s1 =	sld [smem:$0x3FA8]  }
0x28: {  	s2 =	sld [smem:$0x3FA9]  }
0x29: {  	s4 =	sld [smem:$0x3FAB]  }
0x2a: {  	p0 =	seq.s32 s5, $0x0;
	s5 =	sld [smem:$0x3FAC]  }
0x2b: {  	s6 =	sld [smem:$0x3FAD]  }
0x2c: {  	s7 =	sld [smem:$0x3FAE]  }
0x2d: {  	s3 =	simm.s32 $0x108;
	s8 =	sld [smem:$0x3FAF]  }
0x2e: {  	s3 =	simm.s32 @!p0 $0x1082;
	s9 =	sld [smem:$0x3FB0]  }
0x2f: {  	lr =	sadd.s32 s0, s3;
	s0 =	sld [smem:$0x3FA7]  }
0x30: {  	s3 =	sld [smem:$0x3FAA]  }
0x31: {  	[smem:$0x3FB3] =	sst s10  }
0x32: {  	s10 =	sld [smem:$0x3FB1];
	_ =	sdelay $0x3  }
0x33: {  	p0 =	seq.s32 s10, $0x1;
	s10 =	sld [smem:$0x3FB3];
	_ =	sdelay $0x3  }
0x34: {  	[smem:$0x3FB3] =	sst s10  }
0x35: {  	s10 =	sld [smem:$0x3FB2];
	_ =	sdelay $0x3  }
0x36: {  	p1 =	seq.s32 s10, $0x1;
	s10 =	sld [smem:$0x3FB3];
	_ =	sdelay $0x3  }
0x37: {  	[smem:$0x3FB3] =	sst s10  }
0x38: {  	s10 =	sld [smem:$0x3FB4]  }
0x39: {  	_ = 	snop;
	(pc) =	sbr.ind lr, $3  }
0x3a: {  	_ = 	snop  }
0x3b: {  	_ = 	snop  }
0x3c: {  	p2 =	seq.s32 s10, $0x1;
	s10 =	sld [smem:$0x3FB3]  }
0x3d: {  	_ =	shalt  }
0x3e: {  	_ =	shalt  }
0x3f: {  	_ =	shalt  }
0x40: {  	_ =	shalt  }
0x41: {  	_ =	shalt  }
0x42: {  	_ =	shalt  }
0x43: {  	_ =	shalt  }
0x44: {  	_ =	shalt  }
0x45: {  	_ =	shalt  }
0x46: {  	_ =	shalt  }
0x47: {  	_ =	shalt  }
0x48: {  	_ =	shalt  }
0x49: {  	_ =	shalt  }
0x4a: {  	_ =	shalt  }
0x4b: {  	_ =	shalt  }
0x4c: {  	_ =	shalt  }
0x4d: {  	_ =	shalt  }
0x4e: {  	_ =	shalt  }
0x4f: {  	_ =	shalt  }
0x50: {  	_ =	shalt  }
0x51: {  	_ =	shalt  }
0x52: {  	_ =	shalt  }
0x53: {  	_ =	shalt  }
0x54: {  	_ =	shalt  }
0x55: {  	_ =	shalt  }
0x56: {  	_ =	shalt  }
0x57: {  	_ =	shalt  }
0x58: {  	_ =	shalt  }
0x59: {  	_ =	shalt  }
0x5a: {  	_ =	shalt  }
0x5b: {  	_ =	shalt  }
0x5c: {  	_ =	shalt  }
0x5d: {  	_ =	shalt  }
0x5e: {  	_ =	shalt  }
0x5f: {  	_ =	shalt  }
0x60: {  	_ =	shalt  }
0x61: {  	_ =	shalt  }
0x62: {  	_ =	shalt  }
0x63: {  	_ =	shalt  }
0x64: {  	_ =	shalt  }
0x65: {  	_ =	shalt  }
0x66: {  	_ =	shalt  }
0x67: {  	_ =	shalt  }
0x68: {  	_ =	shalt  }
0x69: {  	_ =	shalt  }
0x6a: {  	_ =	shalt  }
0x6b: {  	_ =	shalt  }
0x6c: {  	_ =	shalt  }
0x6d: {  	_ =	shalt  }
0x6e: {  	_ =	shalt  }
0x6f: {  	_ =	shalt  }
0x70: {  	_ =	shalt  }
0x71: {  	_ =	shalt  }
0x72: {  	_ =	shalt  }
0x73: {  	_ =	shalt  }
0x74: {  	_ =	shalt  }
0x75: {  	_ =	shalt  }
0x76: {  	_ =	shalt  }
0x77: {  	_ =	shalt  }
0x78: {  	_ =	shalt  }
0x79: {  	_ =	shalt  }
0x7a: {  	_ =	shalt  }
0x7b: {  	_ =	shalt  }
0x7c: {  	_ =	shalt  }
0x7d: {  	_ =	shalt  }
0x7e: {  	_ =	shalt  }
0x7f: {  	_ =	shalt  }
0x80: {  	_ =	shalt  }
0x81: {  	_ =	shalt  }
0x82: {  	_ =	shalt  }
0x83: {  	_ =	shalt  }
0x84: {  	_ =	shalt  }
0x85: {  	_ =	shalt  }
0x86: {  	_ =	shalt  }
0x87: {  	_ =	shalt  }
.Lfunc_end0:
.L_simem_size_0:
called_computation.3_lowered:
.L_overlay_start_0:
0x88: {  	s2 =	sld [smem:$0x3FD9]  }
0x89: {  	s3 =	sld [smem:$0x3FFE];
	_ =	sdelay $0x1  }
0x8a: {  	s1 =	srdreg.scid  }
0x8b: {  	s0 =	sand.u32 $0x1, s1  }
0x8c: {  	s17 =	sshll.u32 s0, $0xA;
	s2 =	sadd.s32 s3, s2  }
0x8d: {  	s2 =	sadd.s32 s2, s17  }
0x8e: {  	[smem:$0x3FBF] =	sst s2  }
0x8f: {  	_ = 	snop  }
0x90: {  	s2 =	sld [smem:$0x3FD0];
	(tm) =	ssettm $0x1  }
0x91: {  	s18 =	sld [smem:$0x3FFB];
	_ =	sdelay $0x3  }
0x92: {  	_ =	strace s18  }
0x93: {  	s3 =	sld [smem:$0x3FFC];
	_ =	sdelay $0x3  }
0x94: {  	_ =	strace s3  }
0x95: {  	s3 =	sld [smem:$0x3FFD];
	_ =	sdelay $0x3  }
0x96: {  	_ =	strace s3  }
0x97: {  	_ =	strace $0x8FFFFFFF  }
0x98: {  	s19 =	sld [smem:$0x3FDB];
	_ =	sdelay $0x1  }
0x99: {  	s4 =	simm.s32 $_scs_section_size  }
0x9a: {  	s5 =	simm.s32 $_size__tile_overlayer_lowered;
	s6 =	simm.s32 $_tile_overlayer_lowered  }
0x9b: {  	s22 =	simm.s32 $0x1BFF;
	s21 =	sshll.u32 s6, $0x1;
	s3 =	sadd.s32 s4, s19  }
0x9c: {  	s7 =	simm.s32 $0x0;
	s20 =	sshll.u32 s5, $0x1;
	s5 =	sadd.s32 s21, s3  }
0x9d: {  	[timem:s7], [sflag:s22] =	dma.local [hbm:s5], s20  }
0x9e: {  	_ =	swait.ge [sflag:s22], s20  }
0x9f: {  	s4 =	ssub.s32 $0x0, s20;
	[sflag:s22] =	ssyncset.done $0x0  }
0xa0: {  	[sflag:s22] =	ssyncadd.s32 s4;
	_ =	sdelay $0x1  }
0xa1: {  	s23 =	simm.s32 $0x1B8B  }
0xa2: {  	_ =	swait.ge [sflag:s23], $0x1  }
0xa3: {  	[sflag:s23] =	ssyncset.done $0x0  }
0xa4: {  	s25 =	simm.s32 $0x1B8E;
	s24 =	sld [smem:$0x3FFE];
	[sflag:s23] =	ssyncadd.s32 $0xFFFFFFFF  }
0xa5: {  	s26 =	simm.s32 $execute0_lowered;
	[smem:$0x3FD2] =	sst s25  }
0xa6: {  	s5 =	sshll.u32 s26, $0x1;
	_ =	strace $0x8000004F;
	[dreg:$0x1] =	wrdreg $0xFFFFFFFF  }
0xa7: {  	s28 =	simm.s32 $_size_execute0_lowered;
	s3 =	sadd.s32 s3, s5;
	[dreg:$0x0] =	wrdreg $0x0  }
0xa8: {  	s5 =	sshll.u32 s28, $0x1;
	[dreg:$0x2] =	wrdreg s3  }
0xa9: {  	[dreg:$0x3] =	wrdreg s5  }
0xaa: {  	[dreg:$0x4] =	wrdreg $0xC0  }
0xab: {  	_ =	task [dreg:s7], $0x5FFFF  }
0xac: {  	[dreg:$0x1] =	wrdreg $0xFFFFFFFF  }
0xad: {  	[dreg:$0x0] =	wrdreg $0x60  }
0xae: {  	[dreg:$0x2] =	wrdreg s24  }
0xaf: {  	[dreg:$0x3] =	wrdreg s2  }
0xb0: {  	[dreg:$0x4] =	wrdreg $0x41000  }
0xb1: {  	[dreg:$0x5] =	wrdreg $0x9  }
0xb2: {  	_ =	task.clear_ibuf [dreg:s7], $0x6FFFF;
	_ =	strace $0x9000004F  }
0xb3: {  	s29 =	simm.s32 $0x9;
	_ =	strace $0x80000051  }
0xb4: {  	_ =	swait.ge [sflag:s29], $0x1  }
0xb5: {  	[sflag:s29] =	ssyncadd.s32 $0xFFFFFFFF  }
0xb6: {  	_ =	strace $0x90000051  }
0xb7: {  	_ =	sfence  }
0xb8: {  	s30 =	sld [smem:$0x0];
	_ =	sdelay $0x2  }
0xb9: {  	s31 =	sshll.u32 s1, $0xD;
	s1 =	sshrl.u32 s1, $0x2  }
0xba: {  	s3 =	sand.u32 $0x4000, s31;
	s1 =	sadd.s32 s1, s30  }
0xbb: {  	s0 =	sor.u32 s3, s0;
	s1 =	sshll.u32 s1, $0x11  }
0xbc: {  	s0 =	sor.u32 s1, s0  }
0xbd: {  	s0 =	sadd.s32 $0x8F2B, s0  }
0xbe: {  	[sflag:s0] =	ssyncadd.remote.s32 $0x1  }
0xbf: {  	_ =	sfence.sel $0xFFFF  }
0xc0: {  	[dreg:$0x0] =	wrdreg $0xFFFFFFFF;
	(pc) =	sbr.abs _section_cstart, $3  }
0xc1: {  	[dreg:$0x1] =	wrdreg $0xFFFFFFFF  }
0xc2: {  	_ =	task.clear_ibuf [dreg:s7], $0x2FFFF;
	_ =	strace $0x9FFFFFFF  }
0xc3: {  	(tm) =	ssettm $0x7FFFFFFF  }
tec
execute0_lowered:
.L_overlay_start_1:
0x0: {  	(tag) =	ssettag $0x1  }
0x1: {  	s5 =	rddreg [dreg:$0x0]  }
0x2: {  	s8 =	rddreg [dreg:$0x1]  }
0x3: {  	s2 =	rddreg [dreg:$0x2]  }
0x4: {  	s0 =	rddreg [dreg:$0x3];
	s1 =	stileid.u32  }
0x5: {  	s3 =	simm.s32 $0x0;
	s4 =	srdreg.scid;
	s9 =	smul.u32 $0x9E0, s1  }
0x6: {  	[smem:$0x7FF] =	sst s3;
	s15 =	smul.u32 $0x2800, s1  }
0x7: {  	s6 =	sand.u32 $0x1, s4;
	s4 =	sadd.s32 $0x2600, s5;
	s11 =	smul.u32 $0x50000, s1  }
0x8: {  	s30 =	sshll.u32 s1, $0x6;
	_ =	strace $0x80000050;
	s7 =	smul.u32 $0x28000, s6  }
0x9: {  	s10 =	ssub.s32 $0x2, s6;
	s16 =	smul.u32 $0x4F0, s6;
	s6 =	sor.u32 $0x1C02, s30  }
0xa: {  	s12 =	sadd.s32 s9, s5;
	s13 =	sadd.s32 s15, s5;
	s14 =	sshrl.u32 s10, $0x1  }
0xb: {  	s29 =	sshrl.u32 s11, $0x2;
	s9 =	sadd.s32 s9, s8;
	s7 =	sadd.s32 s7, s5  }
0xc: {  	s10 =	ssub.s32 s10, s14;
	s11 =	sadd.s32 s29, s2;
	s5 =	sadd.s32 $0x34A00, s13  }
0xd: {  	s31 =	sadd.s32 s16, s12;
	s9 =	sadd.s32 s16, s9;
	s12 =	simm.s32 $0x80  }
0xe: {  	s13 =	simm.s32 $0x100;
	s14 =	simm.s32 $0x1;
	s16 =	simm.s32 $0x0  }
0xf: {  	s17 =	sadd.s32 $0xAD200, s7;
	s7 =	smax.u32 s10, $0x1;
	s8 =	sadd.s32 $0x2AC00, s31  }
0x10: {  	s10 =	sshrl.u32 s11, $0x3;
	s11 =	simm.s32 $0x2;
	s15 =	sadd.s32 s15, s17  }
.LBB2_1:
0x11: {  	[spmem:s10], [sflag:s6] =	dma.local [hbm:s5], $0x2800  }
0x12: {  	_ =	swait.ge [sflag:s11], $0x2800  }
0x13: {  	[sflag:s11] =	ssyncset.done $0x0  }
0x14: {  	[sflag:s11] =	ssyncadd.s32 $0xFFFFD800  }
0x15: {  	s17 =	sadd.s32 $0x0, s9;
	[bflag:$0x0] =	sbarrier.arrive $0xFFFF  }
0x16: {  	[tilespmem:s3], [sflag:$0x2] =	stream.linear.gather [hbm4b:s17+s3], $0x80, $0x38;
	[tilespmem:$0x18100] =	vst v63  }
0x17: {  	_ =	swait.ge [sflag:s11], $0x80  }
0x18: {  	[sflag:s11] =	ssyncset.done $0x0  }
0x19: {  	s31 =	sadd.s32 $0x0, s8;
	[sflag:s11] =	ssyncadd.s32 $0xFFFFFF80  }
0x1a: {  	[tilespmem:s12], [sflag:$0x2] =	stream.linear.gather [hbm4b:s31+s3], $0x80, $0x38;
	[tilespmem:$0x18100] =	vst v63  }
0x1b: {  	_ =	swait.ge [sflag:s11], $0x80  }
0x1c: {  	[sflag:s11] =	ssyncset.done $0x0  }
0x1d: {  	[sflag:s11] =	ssyncadd.s32 $0xFFFFFF80  }
0x1e: {  	[tilespmem:s13], [sflag:$0x1] =	stream.indirect.gather [hbm4b:s4+s12], $0x80, s3, s12, $0xb8;
	[tilespmem:$0x18100] =	vst v63  }
0x1f: {  	_ =	swait.ge [sflag:s14], $0x4000  }
0x20: {  	[sflag:s14] =	ssyncset.done $0x0  }
0x21: {  	[sflag:s14] =	ssyncadd.s32 $0xFFFFC000  }
0x22: {  	[spmem:s2] =	stream.indirect.scatter.add.f32 [tilespmem:s13], [sflag:$0x2], $0x80, s12, s12, $0xb8;
	[tilespmem:$0x18100] =	vst v63  }
0x23: {  	_ =	swait.ge [sflag:s11], $0x4000  }
0x24: {  	s18 =	simm.s32 $0x20;
	s17 =	simm.s32 $0x10;
	[sflag:s11] =	ssyncset.done $0x0  }
.LBB2_2:
0x25: {  	s19 =	sadd.s32 s17, s9  }
0x26: {  	[sflag:s11] =	ssyncadd.s32 $0xFFFFC000;
	s20 =	smov.u32 s18;
	s21 =	sadd.s32 $0x10, s18  }
0x27: {  	[tilespmem:s3], [sflag:$0x2] =	stream.linear.gather [hbm4b:s19+s3], $0x80, $0x38;
	[tilespmem:$0x18100] =	vst v63  }
0x28: {  	p0 =	sne.s32 s18, $0x4E0;
	_ =	swait.ge [sflag:s11], $0x80  }
0x29: {  	[sflag:s11] =	ssyncset.done $0x0  }
0x2a: {  	s18 =	sadd.s32 s17, s8;
	s17 =	smov.u32 s20;
	[sflag:s11] =	ssyncadd.s32 $0xFFFFFF80  }
0x2b: {  	[tilespmem:s12], [sflag:$0x2] =	stream.linear.gather [hbm4b:s18+s3], $0x80, $0x38;
	[tilespmem:$0x18100] =	vst v63  }
0x2c: {  	_ =	swait.ge [sflag:s11], $0x80  }
0x2d: {  	[sflag:s11] =	ssyncset.done $0x0  }
0x2e: {  	[sflag:s11] =	ssyncadd.s32 $0xFFFFFF80  }
0x2f: {  	[tilespmem:s13], [sflag:$0x1] =	stream.indirect.gather [hbm4b:s4+s12], $0x80, s3, s12, $0xb8;
	[tilespmem:$0x18100] =	vst v63  }
0x30: {  	_ =	swait.ge [sflag:s14], $0x4000  }
.Ltmp0:
0x31: {  	[sflag:s14] =	ssyncset.done $0x0;
	(pc) =	sbr.rel @p0 .LBB2_2-.Ltmp0, $4  }
0x32: {  	[sflag:s14] =	ssyncadd.s32 $0xFFFFC000  }
0x33: {  	[spmem:s2] =	stream.indirect.scatter.add.f32 [tilespmem:s13], [sflag:$0x2], $0x80, s12, s12, $0xb8;
	[tilespmem:$0x18100] =	vst v63  }
0x34: {  	_ =	swait.ge [sflag:s11], $0x4000  }
0x35: {  	s18 =	smov.u32 s21;
	[sflag:s11] =	ssyncset.done $0x0  }
0x36: {  	s18 =	sadd.s32 s17, s9;
	[sflag:s11] =	ssyncadd.s32 $0xFFFFC000  }
0x37: {  	[tilespmem:s3], [sflag:$0x2] =	stream.linear.gather [hbm4b:s18+s3], $0x80, $0x38;
	[tilespmem:$0x18100] =	vst v63  }
0x38: {  	_ =	swait.ge [sflag:s11], $0x80  }
0x39: {  	[sflag:s11] =	ssyncset.done $0x0  }
0x3a: {  	s31 =	sadd.s32 s17, s8;
	[sflag:s11] =	ssyncadd.s32 $0xFFFFFF80  }
0x3b: {  	[tilespmem:s12], [sflag:$0x2] =	stream.linear.gather [hbm4b:s31+s3], $0x80, $0x38;
	[tilespmem:$0x18100] =	vst v63  }
0x3c: {  	_ =	swait.ge [sflag:s11], $0x80  }
0x3d: {  	[sflag:s11] =	ssyncset.done $0x0  }
0x3e: {  	[sflag:s11] =	ssyncadd.s32 $0xFFFFFF80  }
0x3f: {  	[tilespmem:s13], [sflag:$0x1] =	stream.indirect.gather [hbm4b:s4+s12], $0x80, s3, s12, $0xb8;
	[tilespmem:$0x18100] =	vst v63  }
0x40: {  	_ =	swait.ge [sflag:s14], $0x4000  }
0x41: {  	[sflag:s14] =	ssyncset.done $0x0  }
0x42: {  	[sflag:s14] =	ssyncadd.s32 $0xFFFFC000  }
0x43: {  	[spmem:s2] =	stream.indirect.scatter.add.f32 [tilespmem:s13], [sflag:$0x2], $0x80, s12, s12, $0xb8;
	[tilespmem:$0x18100] =	vst v63  }
0x44: {  	_ =	swait.ge [sflag:s11], $0x4000  }
0x45: {  	s16 =	sadd.s32 $0x1, s16;
	[sflag:s11] =	ssyncset.done $0x0  }
0x46: {  	p0 =	sne.s32 s16, s7;
	[sflag:s11] =	ssyncadd.s32 $0xFFFFC000  }
.Ltmp1:
0x47: {  	[bflag:$0x0] =	sbarrier.arrive $0xFFFF;
	(pc) =	sbr.rel @p0 .LBB2_1-.Ltmp1, $4  }
0x48: {  	[hbm:s15], [sflag:s6] =	dma.local [spmem:s10], $0x2800  }
0x49: {  	_ =	swait.ge [sflag:s11], $0x2800  }
0x4a: {  	[sflag:s11] =	ssyncset.done $0x0  }
0x4b: {  	[sflag:s11] =	ssyncadd.s32 $0xFFFFD800  }
0x4c: {  	_ =	sfence.sel $0x180000  }
0x4d: {  	[bflag:$0x0] =	sbarrier.arrive $0xFFFF  }
0x4e: {  	p0 =	sne.s32 s1, $0x0;
	_ =	strace $0x90000050  }
0x4f: {  	s0 =	sadd.s32 @!p0 $0x100000, s0;
	[bflag:$0x2] =	sbarrier.arrive $0xFFFF  }
0x50: {  	[sflag:s0] =	ssyncadd.tile.s32 @!p0 $0x1;
	_ =	shalt  }
.Lfunc_end2:
_tile_overlayer_lowered:
.L_overlay_start_2:
0x51: {  	(tag) =	ssettag $0x2  }
0x52: {  	s0 =	rddreg [dreg:$0x0];
	s2 =	stileid.u32  }
0x53: {  	s1 =	rddreg [dreg:$0x1];
	p0 =	sne.s32 s2, $0x0  }
0x54: {  	s3 =	rddreg [dreg:$0x2];
	[bflag:$0x3] =	sbarrier.arrive $0xFFFF;
	s2 =	simm.s32 @!p0 $0x1C02  }
0x55: {  	[timem:s3], [sflag:s2] =	dma.local @!p0 [hbm:s0], s1  }
0x56: {  	s0 =	simm.s32 @!p0 $0x2  }
0x57: {  	_ =	swait.ge @!p0 [sflag:s0], s1  }
0x58: {  	s1 =	ssub.s32 @!p0 $0x0, s1;
	[sflag:s0] =	ssyncset.done @!p0 $0x0  }
0x59: {  	[sflag:s0] =	ssyncadd.s32 @!p0 s1  }
0x5a: {  	[bflag:$0x3] =	sbarrier.arrive $0xFFFF  }
0x5b: {  	_ =	shalt  }

// kernel: kernel.8.cloned.1.call-start
scs
__scs_entry_jumppad:
0x0: {  	(pc) =	sbr.rel $0x88, $3  }
0x1: {  	(tag) =	ssettag $0x0;
	lr =	simm.s32 $0x1  }
0x2: {  	[smem:$0x3F98] =	sst lr;
	_ =	strace $0xD0000000  }
0x3: {  	_ = 	snop  }
0x4: {  	_ = 	snop  }
0x5: {  	_ = 	snop  }
0x6: {  	_ = 	snop  }
0x7: {  	_ = 	snop  }
__scs_overlays_trampoline_lowered:
0x8: {  	[smem:$0x3FA7] =	sst s0  }
0x9: {  	[smem:$0x3FA8] =	sst s1  }
0xa: {  	[smem:$0x3FA9] =	sst s2  }
0xb: {  	[smem:$0x3FAA] =	sst s3  }
0xc: {  	[smem:$0x3FAB] =	sst s4  }
0xd: {  	[smem:$0x3FAC] =	sst s5  }
0xe: {  	[smem:$0x3FAD] =	sst s6  }
0xf: {  	[smem:$0x3FAE] =	sst s7  }
0x10: {  	[smem:$0x3FAF] =	sst s8  }
0x11: {  	[smem:$0x3FB0] =	sst s9;
	s0 =	simm.s32 @!p0 $0x0  }
0x12: {  	s1 =	sld [smem:$0x3F96];
	s0 =	simm.s32 @p0 $0x1  }
0x13: {  	[smem:$0x3FB1] =	sst s0;
	s0 =	simm.s32 @!p1 $0x0  }
0x14: {  	s2 =	sld [smem:$0x3F95];
	s0 =	simm.s32 @p1 $0x1  }
0x15: {  	[smem:$0x3FB2] =	sst s0;
	s0 =	simm.s32 @!p2 $0x0  }
0x16: {  	s3 =	sld [smem:$0x3FDB];
	s0 =	simm.s32 @p2 $0x1  }
0x17: {  	s4 =	simm.s32 $0x1BF5;
	[smem:$0x3FB4] =	sst s0  }
0x18: {  	s0 =	sld [smem:$0x3F97];
	_ =	swait.ge [sflag:s4], $0x0  }
0x19: {  	s7 =	sld [smem:$0x3F98]  }
0x1a: {  	s8 =	sadd.s32 $0xFFFFE003, lr  }
0x1b: {  	s9 =	sadd.s32 $0xFFFFFEF7, lr;
	s5 =	simm.s32 $0xFFFFFFFF;
	p2 =	slt.u32 s8, $0xFFFFF086  }
0x1c: {  	p1 =	slt.u32 s9, $0xF7A;
	s5 =	simm.s32 @!p2 $0x0  }
0x1d: {  	s5 =	simm.s32 @p1 $0x1;
	p0 =	seq.s32 s7, s2  }
0x1e: {  	s7 =	smul.u32 @!p0 $0xF7A, s2;
	p2 =	seq.s32 @!p0 s5, $0x0  }
0x1f: {  	s9 =	smul.u32 $0xF7A, s1;
	s8 =	simm.s32 @!p0 $0x1BF5;
	p2 =	por !p2, p0  }
0x20: {  	[sflag:s8] =	ssyncset.s32 @!p0 $0xFFFFF086;
	s6 =	sadd.s32 @!p0 s3, s7;
	s7 =	simm.s32 @!p0 $0x108  }
0x21: {  	s3 =	sadd.s32 s3, s9;
	s6 =	sadd.s32 @!p0 $0x88, s6;
	s7 =	simm.s32 @p2 $0x1082  }
0x22: {  	[simem:s7], [sflag:s8] =	dma.local @!p0 [hbm:s6], $0xF7A  }
0x23: {  	s9 =	sor.u32 $0xD0000000, s2;
	s6 =	simm.s32 $0x108;
	_ =	swait.ge @!p0 [sflag:s8], $0x0  }
0x24: {  	s3 =	sadd.s32 $0x88, s3;
	s6 =	simm.s32 @!p1 $0x1082;
	[sflag:s4] =	ssyncset.s32 $0xFFFFF086  }
0x25: {  	[simem:s6], [sflag:s4] =	dma.local [hbm:s3], $0xF7A  }
0x26: {  	[smem:$0x3F98] =	sst s1;
	(tag) =	ssettag s2;
	_ =	strace s9  }
0x27: {  	s1 =	sld [smem:$0x3FA8]  }
0x28: {  	s2 =	sld [smem:$0x3FA9]  }
0x29: {  	s4 =	sld [smem:$0x3FAB]  }
0x2a: {  	p0 =	seq.s32 s5, $0x0;
	s5 =	sld [smem:$0x3FAC]  }
0x2b: {  	s6 =	sld [smem:$0x3FAD]  }
0x2c: {  	s7 =	sld [smem:$0x3FAE]  }
0x2d: {  	s3 =	simm.s32 $0x108;
	s8 =	sld [smem:$0x3FAF]  }
0x2e: {  	s3 =	simm.s32 @!p0 $0x1082;
	s9 =	sld [smem:$0x3FB0]  }
0x2f: {  	lr =	sadd.s32 s0, s3;
	s0 =	sld [smem:$0x3FA7]  }
0x30: {  	s3 =	sld [smem:$0x3FAA]  }
0x31: {  	[smem:$0x3FB3] =	sst s10  }
0x32: {  	s10 =	sld [smem:$0x3FB1];
	_ =	sdelay $0x3  }
0x33: {  	p0 =	seq.s32 s10, $0x1;
	s10 =	sld [smem:$0x3FB3];
	_ =	sdelay $0x3  }
0x34: {  	[smem:$0x3FB3] =	sst s10  }
0x35: {  	s10 =	sld [smem:$0x3FB2];
	_ =	sdelay $0x3  }
0x36: {  	p1 =	seq.s32 s10, $0x1;
	s10 =	sld [smem:$0x3FB3];
	_ =	sdelay $0x3  }
0x37: {  	[smem:$0x3FB3] =	sst s10  }
0x38: {  	s10 =	sld [smem:$0x3FB4]  }
0x39: {  	_ = 	snop;
	(pc) =	sbr.ind lr, $3  }
0x3a: {  	_ = 	snop  }
0x3b: {  	_ = 	snop  }
0x3c: {  	p2 =	seq.s32 s10, $0x1;
	s10 =	sld [smem:$0x3FB3]  }
0x3d: {  	_ =	shalt  }
0x3e: {  	_ =	shalt  }
0x3f: {  	_ =	shalt  }
0x40: {  	_ =	shalt  }
0x41: {  	_ =	shalt  }
0x42: {  	_ =	shalt  }
0x43: {  	_ =	shalt  }
0x44: {  	_ =	shalt  }
0x45: {  	_ =	shalt  }
0x46: {  	_ =	shalt  }
0x47: {  	_ =	shalt  }
0x48: {  	_ =	shalt  }
0x49: {  	_ =	shalt  }
0x4a: {  	_ =	shalt  }
0x4b: {  	_ =	shalt  }
0x4c: {  	_ =	shalt  }
0x4d: {  	_ =	shalt  }
0x4e: {  	_ =	shalt  }
0x4f: {  	_ =	shalt  }
0x50: {  	_ =	shalt  }
0x51: {  	_ =	shalt  }
0x52: {  	_ =	shalt  }
0x53: {  	_ =	shalt  }
0x54: {  	_ =	shalt  }
0x55: {  	_ =	shalt  }
0x56: {  	_ =	shalt  }
0x57: {  	_ =	shalt  }
0x58: {  	_ =	shalt  }
0x59: {  	_ =	shalt  }
0x5a: {  	_ =	shalt  }
0x5b: {  	_ =	shalt  }
0x5c: {  	_ =	shalt  }
0x5d: {  	_ =	shalt  }
0x5e: {  	_ =	shalt  }
0x5f: {  	_ =	shalt  }
0x60: {  	_ =	shalt  }
0x61: {  	_ =	shalt  }
0x62: {  	_ =	shalt  }
0x63: {  	_ =	shalt  }
0x64: {  	_ =	shalt  }
0x65: {  	_ =	shalt  }
0x66: {  	_ =	shalt  }
0x67: {  	_ =	shalt  }
0x68: {  	_ =	shalt  }
0x69: {  	_ =	shalt  }
0x6a: {  	_ =	shalt  }
0x6b: {  	_ =	shalt  }
0x6c: {  	_ =	shalt  }
0x6d: {  	_ =	shalt  }
0x6e: {  	_ =	shalt  }
0x6f: {  	_ =	shalt  }
0x70: {  	_ =	shalt  }
0x71: {  	_ =	shalt  }
0x72: {  	_ =	shalt  }
0x73: {  	_ =	shalt  }
0x74: {  	_ =	shalt  }
0x75: {  	_ =	shalt  }
0x76: {  	_ =	shalt  }
0x77: {  	_ =	shalt  }
0x78: {  	_ =	shalt  }
0x79: {  	_ =	shalt  }
0x7a: {  	_ =	shalt  }
0x7b: {  	_ =	shalt  }
0x7c: {  	_ =	shalt  }
0x7d: {  	_ =	shalt  }
0x7e: {  	_ =	shalt  }
0x7f: {  	_ =	shalt  }
0x80: {  	_ =	shalt  }
0x81: {  	_ =	shalt  }
0x82: {  	_ =	shalt  }
0x83: {  	_ =	shalt  }
0x84: {  	_ =	shalt  }
0x85: {  	_ =	shalt  }
0x86: {  	_ =	shalt  }
0x87: {  	_ =	shalt  }
.Lfunc_end0:
.L_simem_size_0:
called_computation_lowered:
.L_overlay_start_0:
0x88: {  	s2 =	sld [smem:$0x3FD9]  }
0x89: {  	s3 =	sld [smem:$0x3FFE];
	_ =	sdelay $0x1  }
0x8a: {  	s1 =	srdreg.scid  }
0x8b: {  	s0 =	sand.u32 $0x1, s1  }
0x8c: {  	s17 =	sshll.u32 s0, $0xA;
	s2 =	sadd.s32 s3, s2  }
0x8d: {  	s2 =	sadd.s32 s2, s17  }
0x8e: {  	[smem:$0x3FBF] =	sst s2  }
0x8f: {  	_ = 	snop  }
0x90: {  	s2 =	sld [smem:$0x3FC7];
	(tm) =	ssettm $0x1  }
0x91: {  	s18 =	sld [smem:$0x3FFB];
	_ =	sdelay $0x3  }
0x92: {  	_ =	strace s18  }
0x93: {  	s3 =	sld [smem:$0x3FFC];
	_ =	sdelay $0x3  }
0x94: {  	_ =	strace s3  }
0x95: {  	s3 =	sld [smem:$0x3FFD];
	_ =	sdelay $0x3  }
0x96: {  	_ =	strace s3  }
0x97: {  	_ =	strace $0x8FFFFFFF  }
0x98: {  	s19 =	sld [smem:$0x3FDB];
	_ =	sdelay $0x1  }
0x99: {  	s4 =	simm.s32 $_scs_section_size  }
0x9a: {  	s5 =	simm.s32 $_size__tile_overlayer_lowered;
	s6 =	simm.s32 $_tile_overlayer_lowered  }
0x9b: {  	s22 =	simm.s32 $0x1BFF;
	s21 =	sshll.u32 s6, $0x1;
	s3 =	sadd.s32 s4, s19  }
0x9c: {  	s7 =	simm.s32 $0x0;
	s20 =	sshll.u32 s5, $0x1;
	s5 =	sadd.s32 s21, s3  }
0x9d: {  	[timem:s7], [sflag:s22] =	dma.local [hbm:s5], s20  }
0x9e: {  	_ =	swait.ge [sflag:s22], s20  }
0x9f: {  	s4 =	ssub.s32 $0x0, s20;
	[sflag:s22] =	ssyncset.done $0x0  }
0xa0: {  	[sflag:s22] =	ssyncadd.s32 s4;
	_ =	sdelay $0x1  }
0xa1: {  	s23 =	simm.s32 $0x1B8B  }
0xa2: {  	_ =	swait.ge [sflag:s23], $0x1  }
0xa3: {  	[sflag:s23] =	ssyncset.done $0x0  }
0xa4: {  	s25 =	simm.s32 $0x1B8E;
	s24 =	sld [smem:$0x3FFE];
	[sflag:s23] =	ssyncadd.s32 $0xFFFFFFFF  }
0xa5: {  	s26 =	simm.s32 $execute0_lowered;
	[smem:$0x3FD2] =	sst s25  }
0xa6: {  	s5 =	sshll.u32 s26, $0x1;
	_ =	strace $0x80000046;
	[dreg:$0x1] =	wrdreg $0xFFFFFFFF  }
0xa7: {  	s28 =	simm.s32 $_size_execute0_lowered;
	s3 =	sadd.s32 s3, s5;
	[dreg:$0x0] =	wrdreg $0x0  }
0xa8: {  	s5 =	sshll.u32 s28, $0x1;
	[dreg:$0x2] =	wrdreg s3  }
0xa9: {  	[dreg:$0x3] =	wrdreg s5  }
0xaa: {  	[dreg:$0x4] =	wrdreg $0xC0  }
0xab: {  	_ =	task [dreg:s7], $0x5FFFF  }
0xac: {  	[dreg:$0x1] =	wrdreg $0xFFFFFFFF  }
0xad: {  	[dreg:$0x0] =	wrdreg $0x60  }
0xae: {  	[dreg:$0x2] =	wrdreg s2  }
0xaf: {  	[dreg:$0x3] =	wrdreg s24  }
0xb0: {  	[dreg:$0x4] =	wrdreg $0xA  }
0xb1: {  	_ =	task.clear_ibuf [dreg:s7], $0x5FFFF;
	_ =	strace $0x90000046  }
0xb2: {  	s29 =	simm.s32 $0xA;
	_ =	strace $0x80000048  }
0xb3: {  	_ =	swait.ge [sflag:s29], $0x1  }
0xb4: {  	[sflag:s29] =	ssyncadd.s32 $0xFFFFFFFF  }
0xb5: {  	_ =	strace $0x90000048  }
0xb6: {  	_ =	sfence  }
0xb7: {  	s30 =	sld [smem:$0x0];
	_ =	sdelay $0x2  }
0xb8: {  	s31 =	sshll.u32 s1, $0xD;
	s1 =	sshrl.u32 s1, $0x2  }
0xb9: {  	s3 =	sand.u32 $0x4000, s31;
	s1 =	sadd.s32 s1, s30  }
0xba: {  	s0 =	sor.u32 s3, s0;
	s1 =	sshll.u32 s1, $0x11  }
0xbb: {  	s0 =	sor.u32 s1, s0  }
0xbc: {  	s0 =	sadd.s32 $0x8F2B, s0  }
0xbd: {  	[sflag:s0] =	ssyncadd.remote.s32 $0x1  }
0xbe: {  	_ =	sfence.sel $0xFFFF  }
0xbf: {  	[dreg:$0x0] =	wrdreg $0xFFFFFFFF;
	(pc) =	sbr.abs _section_cstart, $3  }
0xc0: {  	[dreg:$0x1] =	wrdreg $0xFFFFFFFF  }
0xc1: {  	_ =	task.clear_ibuf [dreg:s7], $0x2FFFF;
	_ =	strace $0x9FFFFFFF  }
0xc2: {  	(tm) =	ssettm $0x7FFFFFFF  }
0xc3: {  	_ =	shalt  }
tec
execute0_lowered:
.L_overlay_start_1:
0x0: {  	(tag) =	ssettag $0x1  }
0x1: {  	s1 =	srdreg.scid;
	s0 =	stileid.u32  }
0x2: {  	s2 =	rddreg [dreg:$0x0];
	s6 =	sand.u32 $0x1, s1;
	s30 =	sshll.u32 s0, $0x1  }
0x3: {  	s9 =	rddreg [dreg:$0x1];
	s7 =	sor.u32 s6, s30  }
0x4: {  	s3 =	simm.s32 $0x0;
	s1 =	rddreg [dreg:$0x2];
	s4 =	smul.u32 $0x28, s7  }
0x5: {  	s8 =	simm.s32 $0x1;
	[smem:$0x7FF] =	sst s3  }
0x6: {  	_ =	strace $0x80000047;
	s11 =	ssub.s32 $0x2, s6;
	s4 =	sadd.s32 s4, s9  }
0x7: {  	s6 =	simm.s32 $0x140;
	s5 =	sadd.s32 $0x2600, s4;
	s4 =	simm.s32 $0x2  }
0x8: {  	[tilespmem:s3], [sflag:$0x2] =	stream.linear.gather [hbm4b:s5+s3], $0x140, $0x38;
	[tilespmem:$0xA180] =	vst v63  }
0x9: {  	s10 =	smul.u32 $0x1400, s7;
	s12 =	sshrl.u32 s11, $0x1;
	_ =	swait.ge [sflag:s4], $0x140  }
0xa: {  	s7 =	simm.s32 $0x180;
	s31 =	ssub.s32 s11, s12;
	[sflag:s4] =	ssyncset.done $0x0  }
0xb: {  	s9 =	sadd.s32 s10, s9;
	s10 =	smax.u32 s31, $0x1;
	[sflag:s4] =	ssyncadd.s32 $0xFFFFFEC0  }
0xc: {  	[tilespmem:s7], [sflag:$0x1] =	stream.indirect.gather [hbm4b:s2+s6], $0x80, s3, s6, $0xb8;
	[tilespmem:$0xA180] =	vst v63  }
0xd: {  	p0 =	sne.s32 s10, $0x1;
	_ =	swait.ge [sflag:s8], $0xA000  }
.Ltmp0:
0xe: {  	[sflag:s8] =	ssyncset.done $0x0;
	(pc) =	sbr.rel @!p0 .LBB2_2-.Ltmp0, $4  }
0xf: {  	s9 =	sadd.s32 $0x2C00, s9;
	[sflag:s8] =	ssyncadd.s32 $0xFFFF6000  }
0x10: {  	[hbm4b:s9+s3] =	stream.linear.scatter [tilespmem:s7], [sflag:$0x2], $0xA000, $0x38;
	[tilespmem:$0xA180] =	vst v63  }
0x11: {  	_ =	swait.ge [sflag:s4], $0xA000  }
0x12: {  	s10 =	sadd.s32 $0xFFFFFFFF, s10;
	[sflag:s4] =	ssyncset.done $0x0  }
.LBB2_1:
0x13: {  	p0 =	sne.s32 s10, $0x1;
	s10 =	sadd.s32 $0xFFFFFFFF, s10;
	[sflag:s4] =	ssyncadd.s32 $0xFFFF6000  }
0x14: {  	[tilespmem:s3], [sflag:$0x2] =	stream.linear.gather [hbm4b:s5+s3], $0x140, $0x38;
	[tilespmem:$0xA180] =	vst v63  }
0x15: {  	_ =	swait.ge [sflag:s4], $0x140  }
0x16: {  	[sflag:s4] =	ssyncset.done $0x0  }
0x17: {  	[sflag:s4] =	ssyncadd.s32 $0xFFFFFEC0  }
0x18: {  	[tilespmem:s7], [sflag:$0x1] =	stream.indirect.gather [hbm4b:s2+s6], $0x80, s3, s6, $0xb8;
	[tilespmem:$0xA180] =	vst v63  }
0x19: {  	_ =	swait.ge [sflag:s8], $0xA000  }
.Ltmp1:
0x1a: {  	[sflag:s8] =	ssyncset.done $0x0;
	(pc) =	sbr.rel @p0 .LBB2_1-.Ltmp1, $4  }
0x1b: {  	[sflag:s8] =	ssyncadd.s32 $0xFFFF6000  }
0x1c: {  	[hbm4b:s9+s3] =	stream.linear.scatter [tilespmem:s7], [sflag:$0x2], $0xA000, $0x38;
	[tilespmem:$0xA180] =	vst v63  }
0x1d: {  	_ =	swait.ge [sflag:s4], $0xA000  }
0x1e: {  	[sflag:s4] =	ssyncset.done $0x0  }
.LBB2_2:
0x1f: {  	[sflag:s4] =	ssyncadd.s32 $0xFFFF6000  }
0x20: {  	_ =	sfence.sel $0x180000  }
0x21: {  	[bflag:$0x0] =	sbarrier.arrive $0xFFFF  }
0x22: {  	p0 =	sne.s32 s0, $0x0;
	_ =	strace $0x90000047  }
0x23: {  	s0 =	sadd.s32 @!p0 $0x100000, s1;
	[bflag:$0x2] =	sbarrier.arrive $0xFFFF  }
0x24: {  	[sflag:s0] =	ssyncadd.tile.s32 @!p0 $0x1;
	_ =	shalt  }
.Lfunc_end2:
_tile_overlayer_lowered:
.L_overlay_start_2:
0x25: {  	(tag) =	ssettag $0x2  }
0x26: {  	s0 =	rddreg [dreg:$0x0];
	s2 =	stileid.u32  }
0x27: {  	s1 =	rddreg [dreg:$0x1];
	p0 =	sne.s32 s2, $0x0  }
0x28: {  	s3 =	rddreg [dreg:$0x2];
	[bflag:$0x3] =	sbarrier.arrive $0xFFFF;
	s2 =	simm.s32 @!p0 $0x1C02  }
0x29: {  	[timem:s3], [sflag:s2] =	dma.local @!p0 [hbm:s0], s1  }
0x2a: {  	s0 =	simm.s32 @!p0 $0x2  }
0x2b: {  	_ =	swait.ge @!p0 [sflag:s0], s1  }
0x2c: {  	s1 =	ssub.s32 @!p0 $0x0, s1;
	[sflag:s0] =	ssyncset.done @!p0 $0x0  }
0x2d: {  	[sflag:s0] =	ssyncadd.s32 @!p0 s1  }
0x2e: {  	[bflag:$0x3] =	sbarrier.arrive $0xFFFF  }
0x2f: {  	_ =	shalt  }

</sc_bundles>
